<compile_context>
chip_gen: v7x
topology: tpu7x:2x2x1
jax: 0.10.2.dev20260603
libtpu: 0.0.44.dev20260713+nightly
codegen_flags: <defaults>
</compile_context>

<pallas_src>
import functools
import math

import jax
import jax.numpy as jnp
from jax import lax
from jax.experimental import pallas as pl
from jax.experimental.pallas import tpu as pltpu
from jax.experimental.pallas import tpu_sc as plsc

NUM_BREEDS = 120
NUM_EMOTIONS = 8
NUM_ACTIONS = 16
LAMBDA_OBJ = 1.0
LAMBDA_BOX = 5.0
LAMBDA_HEAD = 2.0
LAMBDA_ATTR = 1.0
IGNORE_INDEX = -100

_HI = jax.lax.Precision.HIGHEST


def _sc_gather(pred_flat, bodyT, imgv, *, B, H, W, C, N):
    R = B * N
    CELLS = B * H * W
    TOT = CELLS * C
    CPG = 10
    PER = CELLS // 32
    mesh = plsc.VectorSubcoreMesh(core_axis_name="c", subcore_axis_name="s")

    @functools.partial(
        pl.kernel, mesh=mesh,
        out_type=[jax.ShapeDtypeStruct((R * 16 * CPG,), jnp.float32),
                  jax.ShapeDtypeStruct((CELLS,), jnp.float32)],
        scratch_types=[pltpu.VMEM((4 * R,), jnp.float32),
                       pltpu.VMEM((16,), jnp.float32),
                       pltpu.VMEM((16 * CPG,), jnp.float32),
                       pltpu.VMEM((PER,), jnp.float32),
                       pltpu.SemaphoreType.DMA],
    )
    def k(pred_flat_hbm, bodyT_hbm, imgv_hbm, rowsT_hbm, obj_hbm,
          body_v, img_v, row_v, obj_v, sem):
        wid = lax.axis_index("s") * 2 + lax.axis_index("c")
        lane = lax.broadcasted_iota(jnp.int32, (16,), 0)

        pltpu.sync_copy(bodyT_hbm, body_v)
        pltpu.sync_copy(imgv_hbm, img_v)
        img = img_v[...]
        sx = img / float(W)
        sy = img / float(H)

        w0s = []
        for j in range(R // 16):
            x1r = body_v[pl.ds(0 * R + 16 * j, 16)]
            y1r = body_v[pl.ds(1 * R + 16 * j, 16)]
            x2r = body_v[pl.ds(2 * R + 16 * j, 16)]
            y2r = body_v[pl.ds(3 * R + 16 * j, 16)]
            mx = jnp.maximum(jnp.maximum(x1r, y1r), jnp.maximum(x2r, y2r))
            scale_b = mx <= 1.5
            x1 = jnp.where(scale_b, x1r * img, x1r)
            y1 = jnp.where(scale_b, y1r * img, y1r)
            x2 = jnp.where(scale_b, x2r * img, x2r)
            y2 = jnp.where(scale_b, y2r * img, y2r)
            cx = (x1 + x2) * 0.5
            cy = (y1 + y2) * 0.5
            gx = (cx / sx).astype(jnp.int32)
            gy = (cy / sy).astype(jnp.int32)
            gxs = jnp.clip(gx, 0, W - 1)
            gys = jnp.clip(gy, 0, H - 1)
            b_idx = jax.lax.shift_right_logical(
                16 * j + lane, N.bit_length() - 1)
            cell = b_idx * (H * W) + gys * W + gxs
            w0s.append(cell * C)

        widvec = wid + jnp.zeros((16,), jnp.int32)
        jbit = jnp.bitwise_and(jax.lax.shift_right_logical(widvec, 4), 1)
        w0j = w0s[0] * (1 - jbit) + w0s[1] * jbit
        g = wid % 16

        cps = []
        for t in range(CPG):
            idx = jnp.minimum(w0j + (g * CPG + t), TOT - 1)
            cps.append(pltpu.async_copy(
                pred_flat_hbm.at[idx], row_v.at[pl.ds(16 * t, 16)], sem))
        base = wid * PER
        for kk in range(PER // 16):
            oidx = (base + 16 * kk + lane) * C
            cps.append(pltpu.async_copy(
                pred_flat_hbm.at[oidx], obj_v.at[pl.ds(16 * kk, 16)], sem))
        for cp in cps:
            cp.wait()
        pltpu.sync_copy(row_v, rowsT_hbm.at[pl.ds(wid * 16 * CPG, 16 * CPG)])
        pltpu.sync_copy(obj_v, obj_hbm.at[pl.ds(base, PER)])

    return k(pred_flat, bodyT, imgv)


def _smooth_l1(p, t):
    d = jnp.abs(p - t)
    return jnp.where(d < 1.0, 0.5 * d * d, d - 0.5)


def _outer(ones_col, col):
    return jax.lax.dot_general(ones_col, col, (((1,), (1,)), ((), ())),
                               preferred_element_type=jnp.float32,
                               precision=_HI)


def _loss_kernel(body_ref, head_ref, attr_ref, img_ref, rows_ref, obj_ref,
                 out_ref, *, B, H, W, C, N):
    R = B * N
    img = img_ref[0, 0]
    sx = img / float(W)
    sy = img / float(H)

    body = body_ref[...]
    head = head_ref[...]
    attr = attr_ref[...]

    bx1r, by1r = body[:, 0:1], body[:, 1:2]
    bx2r, by2r = body[:, 2:3], body[:, 3:4]
    scale_b = jnp.max(body, axis=1, keepdims=True) <= 1.5
    x1 = jnp.where(scale_b, bx1r * img, bx1r)
    y1 = jnp.where(scale_b, by1r * img, by1r)
    x2 = jnp.where(scale_b, bx2r * img, bx2r)
    y2 = jnp.where(scale_b, by2r * img, by2r)
    bw = x2 - x1
    bh = y2 - y1
    size_ok = (bw > 0) & (bh > 0)
    cx = (x1 + x2) * 0.5
    cy = (y1 + y2) * 0.5
    fgx = cx / sx
    fgy = cy / sy
    gx = fgx.astype(jnp.int32)
    gy = fgy.astype(jnp.int32)
    inb = (gx >= 0) & (gy >= 0) & (gx < W) & (gy < H)
    gxs = jnp.clip(gx, 0, W - 1)
    gys = jnp.clip(gy, 0, H - 1)
    valid = size_ok & inb

    area = (jnp.clip(bx2r - bx1r, 0.0, None) *
            jnp.clip(by2r - by1r, 0.0, None))

    tx = fgx - gx.astype(jnp.float32)
    ty = fgy - gy.astype(jnp.float32)
    safe_bw = jnp.where(bw > 0, bw, 1.0)
    safe_bh = jnp.where(bh > 0, bh, 1.0)
    tw = jnp.log(safe_bw / sx + 1e-06)
    th = jnp.log(safe_bh / sy + 1e-06)

    hx1r, hy1r = head[:, 0:1], head[:, 1:2]
    hx2r, hy2r = head[:, 2:3], head[:, 3:4]
    scale_h = jnp.max(head, axis=1, keepdims=True) <= 1.5
    hx1 = jnp.where(scale_h, hx1r * img, hx1r)
    hy1 = jnp.where(scale_h, hy1r * img, hy1r)
    hx2 = jnp.where(scale_h, hx2r * img, hx2r)
    hy2 = jnp.where(scale_h, hy2r * img, hy2r)
    head_ok = (attr[:, 3:4] > 0) & ((hx2 - hx1) > 0) & ((hy2 - hy1) > 0)
    rel0 = jnp.clip((hx1 - x1) / safe_bw, 0.0, 1.0)
    rel1 = jnp.clip((hy1 - y1) / safe_bh, 0.0, 1.0)
    rel2 = jnp.clip((hx2 - x1) / safe_bw, 0.0, 1.0)
    rel3 = jnp.clip((hy2 - y1) / safe_bh, 0.0, 1.0)

    rIdx = jax.lax.broadcasted_iota(jnp.int32, (R, R), 0)
    sIdx = jax.lax.broadcasted_iota(jnp.int32, (R, R), 1)
    same_img = (rIdx // N) == (sIdx // N)
    ones_col = jnp.ones((R, 1), dtype=jnp.float32)
    a_row = _outer(ones_col, area)
    before = same_img & ((a_row < area) | ((a_row == area) & (sIdx < rIdx)))
    rank = jnp.sum(before.astype(jnp.float32), axis=1, keepdims=True)

    b_idx = jax.lax.broadcasted_iota(jnp.int32, (R, 1), 0) // N
    cell = b_idx * (H * W) + gys * W + gxs
    cell_f = cell.astype(jnp.float32)
    cell_row = _outer(ones_col, cell_f)
    eqcell = same_img & (cell_row == cell_f) & (sIdx != rIdx)
    eqcell_f = eqcell.astype(jnp.float32)

    pos = jnp.zeros((R, 1), dtype=jnp.float32)
    valid_f = valid.astype(jnp.float32)
    for k in range(N):
        pos_row = _outer(ones_col, pos)
        occ = jnp.sum(eqcell_f * pos_row, axis=1, keepdims=True)
        sel = (rank == float(k))
        newpos = jnp.where(sel & (occ < 0.5), valid_f, 0.0)
        pos = pos + newpos
    total_pos = jnp.sum(pos)

    g = rows_ref[...]
    obj_g = g[:, 0:1]
    braw = g[:, 1:5]
    hraw = g[:, 5:9]
    off = 9
    breed_l = g[:, off:off + NUM_BREEDS]
    off += NUM_BREEDS
    emo_l = g[:, off:off + NUM_EMOTIONS]
    off += NUM_EMOTIONS
    act_l = g[:, off:off + NUM_ACTIONS]

    pxy = 1.0 / (1.0 + jnp.exp(-braw[:, 0:2]))
    txy = jnp.concatenate([tx, ty], axis=1)
    twh = jnp.concatenate([tw, th], axis=1)
    box_r = (jnp.sum(_smooth_l1(pxy, txy), axis=1, keepdims=True) +
             jnp.sum(_smooth_l1(braw[:, 2:4], twh), axis=1, keepdims=True))
    total = LAMBDA_BOX * jnp.sum(pos * box_r)

    ph = 1.0 / (1.0 + jnp.exp(-hraw))
    relm = jnp.concatenate([rel0, rel1, rel2, rel3], axis=1)
    head_r = jnp.sum(_smooth_l1(ph, relm), axis=1, keepdims=True)
    total = total + LAMBDA_HEAD * jnp.sum(
        pos * head_ok.astype(jnp.float32) * head_r)

    def ce(logits, t, nclass):
        m = jnp.max(logits, axis=1, keepdims=True)
        lse = m + jnp.log(jnp.sum(jnp.exp(logits - m), axis=1, keepdims=True))
        cls_iota = jax.lax.broadcasted_iota(jnp.int32, (R, nclass), 1)
        picked = jnp.sum(jnp.where(cls_iota == t, logits, 0.0), axis=1,
                         keepdims=True)
        return jnp.where(t != IGNORE_INDEX, lse - picked, 0.0)

    attr_r = (ce(breed_l, attr[:, 0:1], NUM_BREEDS) +
              ce(emo_l, attr[:, 1:2], NUM_EMOTIONS) +
              ce(act_l, attr[:, 2:3], NUM_ACTIONS))
    total = total + LAMBDA_ATTR * jnp.sum(pos * attr_r)

    o = obj_ref[...]
    base = jnp.sum(jnp.maximum(o, 0.0) + jnp.log(1.0 + jnp.exp(-jnp.abs(o))))
    corr = -jnp.sum(pos * obj_g)
    total = total + LAMBDA_OBJ * (base + corr)

    out_ref[0, 0] = total / jnp.maximum(total_pos, 1.0)


def kernel(pred, body_boxes, head_boxes, labels, emotions, actions,
           head_valid, img_size):
    B, H, W, C = pred.shape
    N = body_boxes.shape[1]
    R = B * N
    CELLS = B * H * W
    img_f = jnp.asarray(img_size, jnp.float32)

    pred_flat = pred.reshape(CELLS * C)
    body32 = body_boxes.reshape(R, 4).astype(jnp.float32)
    bodyT = body32.T.reshape(4 * R)
    imgv = jnp.full((16,), img_f, dtype=jnp.float32)

    rowsT_flat, obj = _sc_gather(pred_flat, bodyT, imgv,
                                 B=B, H=H, W=W, C=C, N=N)
    rows = (rowsT_flat.reshape(R // 16, 16, 10, 16)
            .transpose(0, 3, 1, 2).reshape(R, 160))

    head32 = head_boxes.reshape(R, 4).astype(jnp.float32)
    attr32 = jnp.stack([labels.reshape(R), emotions.reshape(R),
                        actions.reshape(R),
                        head_valid.reshape(R).astype(jnp.int32)],
                       axis=-1).astype(jnp.int32)
    img11 = img_f.reshape(1, 1)
    obj128 = obj.reshape(CELLS // 128, 128)

    out = pl.pallas_call(
        functools.partial(_loss_kernel, B=B, H=H, W=W, C=C, N=N),
        out_shape=jax.ShapeDtypeStruct((1, 1), jnp.float32),
        in_specs=[
            pl.BlockSpec(memory_space=pltpu.VMEM),
            pl.BlockSpec(memory_space=pltpu.VMEM),
            pl.BlockSpec(memory_space=pltpu.VMEM),
            pl.BlockSpec(memory_space=pltpu.SMEM),
            pl.BlockSpec(memory_space=pltpu.VMEM),
            pl.BlockSpec(memory_space=pltpu.VMEM),
        ],
        out_specs=pl.BlockSpec(memory_space=pltpu.SMEM),
    )(body32, head32, attr32, img11, rows, obj128)
    return out.reshape(())

# --- scband reference (transcript-rebuilt; emitter-appended) ---
"""Pipeline reference for scband-dog-yololoss-35708358099195 (READ-ONLY COPY).

The authoritative reference and input builder live on the scoring server;
editing this copy changes nothing except your own understanding.
"""

import math
import jax, jax.numpy as jnp
import numpy as np

NUM_BREEDS = 120
NUM_EMOTIONS = 8
NUM_ACTIONS = 16
LAMBDA_OBJ = 1.0
LAMBDA_BOX = 5.0
LAMBDA_HEAD = 2.0
LAMBDA_ATTR = 1.0
IGNORE_INDEX = -100


def setup_inputs(seed: int = 0):
    key = jax.random.key(seed)
    ks = jax.random.split(key, 8)
    B, H, W, N = 8, 40, 40, 4
    C = 9 + NUM_BREEDS + NUM_EMOTIONS + NUM_ACTIONS
    pred = jax.random.normal(ks[0], (B, H, W, C), dtype=jnp.float32)
    cxy = jax.random.uniform(ks[1], (B, N, 2), minval=0.15, maxval=0.85)
    wh = jax.random.uniform(ks[2], (B, N, 2), minval=0.05, maxval=0.30)
    x1y1 = jnp.clip(cxy - wh / 2, 0.0, 1.0)
    x2y2 = jnp.clip(cxy + wh / 2, 0.0, 1.0)
    body_boxes = jnp.concatenate([x1y1, x2y2], axis=-1).astype(jnp.float32)
    hx1 = x1y1[..., 0] + 0.25 * wh[..., 0]
    hx2 = hx1 + 0.40 * wh[..., 0]
    hy1 = x1y1[..., 1] + 0.05 * wh[..., 1]
    hy2 = hy1 + 0.35 * wh[..., 1]
    head_boxes = jnp.stack([hx1, hy1, hx2, hy2], axis=-1).astype(jnp.float32)
    labels = jax.random.randint(ks[3], (B, N), 0, NUM_BREEDS).astype(jnp.int32)
    emotions = jax.random.randint(ks[4], (B, N), 0, NUM_EMOTIONS).astype(jnp.int32)
    actions = jax.random.randint(ks[5], (B, N), 0, NUM_ACTIONS).astype(jnp.int32)
    head_valid = jax.random.uniform(ks[6], (B, N)) > 0.2
    return {'pred': pred, 'body_boxes': body_boxes, 'head_boxes': head_boxes,
            'labels': labels, 'emotions': emotions, 'actions': actions,
            'head_valid': head_valid, 'img_size': 640}


def _smooth_l1(x, t):
    d = jnp.abs(x - t)
    return jnp.where(d < 1.0, 0.5 * d * d, d - 0.5)


def _bce_logits(logits, target):
    return jnp.maximum(logits, 0.0) - logits * target + jnp.log1p(jnp.exp(-jnp.abs(logits)))


def _ce(logits, t):
    return jax.nn.logsumexp(logits) - logits[t]


def _assignments(body, head, labels, emotions, actions, head_valid, H, W, img_h, img_w):
    B, N, _ = body.shape
    sx = img_w / float(W)
    sy = img_h / float(H)
    obj_t = jnp.zeros((B, H, W), dtype=jnp.float32)
    recs = []
    total_pos = jnp.asarray(0, dtype=jnp.int32)
    areas = jnp.clip(body[..., 2] - body[..., 0], 0, None) * jnp.clip(body[..., 3] - body[..., 1], 0, None)
    order = jnp.argsort(areas, axis=-1)
    for b in range(B):
        for k in range(N):
            i = order[b, k]
            bb = body[b, i]
            scale_b = bb.max() <= 1.5
            x1 = jnp.where(scale_b, bb[0] * img_w, bb[0])
            y1 = jnp.where(scale_b, bb[1] * img_h, bb[1])
            x2 = jnp.where(scale_b, bb[2] * img_w, bb[2])
            y2 = jnp.where(scale_b, bb[3] * img_h, bb[3])
            bw = x2 - x1
            bh = y2 - y1
            size_ok = (bw > 0) & (bh > 0)
            cx = (x1 + x2) / 2.0
            cy = (y1 + y2) / 2.0
            gx = (cx / sx).astype(jnp.int32)
            gy = (cy / sy).astype(jnp.int32)
            inb = (gx >= 0) & (gy >= 0) & (gx < W) & (gy < H)
            gxs = jnp.clip(gx, 0, W - 1)
            gys = jnp.clip(gy, 0, H - 1)
            occupied = obj_t[b, gys, gxs] > 0.5
            pos = size_ok & inb & (~occupied)
            obj_t = obj_t.at[b, gys, gxs].add(jnp.where(pos, 1.0, 0.0))
            total_pos = total_pos + pos.astype(jnp.int32)
            safe_bw = jnp.where(bw > 0, bw, 1.0)
            safe_bh = jnp.where(bh > 0, bh, 1.0)
            tx = (cx / sx - gx).astype(jnp.float32)
            ty = (cy / sy - gy).astype(jnp.float32)
            tw = jnp.log(safe_bw / sx + 1e-06).astype(jnp.float32)
            th = jnp.log(safe_bh / sy + 1e-06).astype(jnp.float32)
            hb = head[b, i]
            scale_h = hb.max() <= 1.5
            hx1 = jnp.where(scale_h, hb[0] * img_w, hb[0])
            hy1 = jnp.where(scale_h, hb[1] * img_h, hb[1])
            hx2 = jnp.where(scale_h, hb[2] * img_w, hb[2])
            hy2 = jnp.where(scale_h, hb[3] * img_h, hb[3])
            head_ok = head_valid[b, i] & ((hx2 - hx1) > 0) & ((hy2 - hy1) > 0)
            rel = jnp.clip(jnp.stack([(hx1 - x1) / safe_bw, (hy1 - y1) / safe_bh,
                                      (hx2 - x1) / safe_bw, (hy2 - y1) / safe_bh]).astype(jnp.float32), 0.0, 1.0)
            recs.append((b, gys, gxs, pos, tx, ty, tw, th, head_ok, rel,
                         labels[b, i], emotions[b, i], actions[b, i]))
    return obj_t, recs, total_pos


def _loss(pred, obj_t, recs, total_pos):
    obj = pred[..., 0]
    body_raw = pred[..., 1:5]
    head_raw = pred[..., 5:9]
    off = 9
    breed_logits = pred[..., off:off + NUM_BREEDS]
    off += NUM_BREEDS
    emo_logits = pred[..., off:off + NUM_EMOTIONS]
    off += NUM_EMOTIONS
    act_logits = pred[..., off:off + NUM_ACTIONS]
    total = jnp.asarray(0.0, dtype=jnp.float32)
    for (b, gy, gx, pos, tx, ty, tw, th, head_ok, rel, lab, emo, act) in recs:
        pxy = jax.nn.sigmoid(body_raw[b, gy, gx, 0:2])
        pwh = body_raw[b, gy, gx, 2:4]
        box_term = LAMBDA_BOX * (_smooth_l1(pxy, jnp.stack([tx, ty])).sum() + _smooth_l1(pwh, jnp.stack([tw, th])).sum())
        total = total + jnp.where(pos, box_term, 0.0)
        ph = jax.nn.sigmoid(head_raw[b, gy, gx])
        head_term = LAMBDA_HEAD * _smooth_l1(ph, rel).sum()
        total = total + jnp.where(pos & head_ok, head_term, 0.0)
        attr = jnp.asarray(0.0, dtype=jnp.float32)
        attr = attr + jnp.where(lab != IGNORE_INDEX, _ce(breed_logits[b, gy, gx], lab), 0.0)
        attr = attr + jnp.where(emo != IGNORE_INDEX, _ce(emo_logits[b, gy, gx], emo), 0.0)
        attr = attr + jnp.where(act != IGNORE_INDEX, _ce(act_logits[b, gy, gx], act), 0.0)
        total = total + jnp.where(pos, LAMBDA_ATTR * attr, 0.0)
    total = total + LAMBDA_OBJ * jnp.sum(_bce_logits(obj, obj_t))
    return total / jnp.maximum(total_pos, 1)


def reference(pred, body_boxes, head_boxes, labels, emotions, actions, head_valid, img_size):
    img_h = jnp.asarray(img_size).astype(jnp.float32)
    img_w = jnp.asarray(img_size).astype(jnp.float32)
    B, H, W, _ = pred.shape
    obj_t, recs, total_pos = _assignments(body_boxes, head_boxes, labels, emotions, actions, head_valid, H, W, img_h, img_w)
    return _loss(pred, obj_t, recs, total_pos)

if __name__ == "__main__":
    import jax
    _d = setup_inputs()
    print(jax.jit(kernel)(*tuple(_d.values())))

</pallas_src>

<mosaic_0001>
#map = affine_map<(d0, d1) -> (0)>
module attributes {stable_mosaic.version = 14 : i64} {
  func.func @k(%arg0: i32, %arg1: i32, %arg2: memref<1958400xf32, #tpu.memory_space<hbm>>, %arg3: memref<128xf32, #tpu.memory_space<hbm>>, %arg4: memref<16xf32, #tpu.memory_space<hbm>>, %arg5: memref<5120xf32, #tpu.memory_space<hbm>>, %arg6: memref<12800xf32, #tpu.memory_space<hbm>>, %arg7: memref<128xf32, #tpu.memory_space<vmem>>, %arg8: memref<16xf32, #tpu.memory_space<vmem>>, %arg9: memref<160xf32, #tpu.memory_space<vmem>>, %arg10: memref<400xf32, #tpu.memory_space<vmem>>, %arg11: memref<!tpu.dma_semaphore, #tpu.memory_space<semaphore_mem>>) attributes {dimension_semantics = [#tpu.dimension_semantics<core_parallel>, #tpu.dimension_semantics<subcore_parallel>], iteration_bounds = array<i64: 2, 16>, scalar_prefetch = 0 : i64, scratch_operands = 5 : i64, tpu.core_type = #tpu.core_type<sc_vector_subcore>, window_params = [{transform_indices = #map}, {transform_indices = #map}, {transform_indices = #map}, {transform_indices = #map}, {transform_indices = #map}]} {
    %mul3A = arith.constant 2 : i32
    %mul3A_0 = arith.muli %arg1, %mul3A : i32
    %add3A = arith.addi %mul3A_0, %arg0 : i32
    %iota3A = tpu.iota {dimensions = array<i32: 0>} : vector<16xi32>
    "tpu.region"() ({
      %run_scoped3A = tpu.sem_alloc : memref<!tpu.dma_semaphore, #tpu.memory_space<semaphore_mem>>
      tpu.enqueue_dma source(%arg3 : memref<128xf32, #tpu.memory_space<hbm>>) target(%arg7 : memref<128xf32, #tpu.memory_space<vmem>>) target_semaphore(%run_scoped3A : memref<!tpu.dma_semaphore, #tpu.memory_space<semaphore_mem>>)
      tpu.wait_dma2 semaphore(%run_scoped3A : memref<!tpu.dma_semaphore, #tpu.memory_space<semaphore_mem>>) src(%arg3 : memref<128xf32, #tpu.memory_space<hbm>>) dst(%arg7 : memref<128xf32, #tpu.memory_space<vmem>>)
      tpu.yield
    }) : () -> ()
    "tpu.region"() ({
      %run_scoped3A = tpu.sem_alloc : memref<!tpu.dma_semaphore, #tpu.memory_space<semaphore_mem>>
      tpu.enqueue_dma source(%arg4 : memref<16xf32, #tpu.memory_space<hbm>>) target(%arg8 : memref<16xf32, #tpu.memory_space<vmem>>) target_semaphore(%run_scoped3A : memref<!tpu.dma_semaphore, #tpu.memory_space<semaphore_mem>>)
      tpu.wait_dma2 semaphore(%run_scoped3A : memref<!tpu.dma_semaphore, #tpu.memory_space<semaphore_mem>>) src(%arg4 : memref<16xf32, #tpu.memory_space<hbm>>) dst(%arg8 : memref<16xf32, #tpu.memory_space<vmem>>)
      tpu.yield
    }) : () -> ()
    %get3A = arith.constant 0 : index
    %get3A_1 = tpu.vector_load %arg8[%get3A] {strides = array<i32>} : memref<16xf32, #tpu.memory_space<vmem>>, vector<16xf32>,
    %get3A_2 = vector.shape_cast %get3A_1 : vector<16xf32> to vector<16xf32>
    %div3A = arith.constant 4.000000e+01 : f32
    %div3A_3 = vector.broadcast %div3A : f32 to vector<16xf32>
    %div3A_4 = arith.divf %get3A_2, %div3A_3 : vector<16xf32>
    %div3A_5 = arith.constant 4.000000e+01 : f32
    %div3A_6 = vector.broadcast %div3A_5 : f32 to vector<16xf32>
    %div3A_7 = arith.divf %get3A_2, %div3A_6 : vector<16xf32>
    %get3A_8 = arith.constant 0 : index
    %get3A_9 = tpu.vector_load %arg7[%get3A_8] {strides = array<i32>} : memref<128xf32, #tpu.memory_space<vmem>>, vector<16xf32>,
    %get3A_10 = vector.shape_cast %get3A_9 : vector<16xf32> to vector<16xf32>
    %get3A_11 = arith.constant 32 : index
    %get3A_12 = tpu.vector_load %arg7[%get3A_11] {strides = array<i32>} : memref<128xf32, #tpu.memory_space<vmem>>, vector<16xf32>,
    %get3A_13 = vector.shape_cast %get3A_12 : vector<16xf32> to vector<16xf32>
    %get3A_14 = arith.constant 64 : index
    %get3A_15 = tpu.vector_load %arg7[%get3A_14] {strides = array<i32>} : memref<128xf32, #tpu.memory_space<vmem>>, vector<16xf32>,
    %get3A_16 = vector.shape_cast %get3A_15 : vector<16xf32> to vector<16xf32>
    %get3A_17 = arith.constant 96 : index
    %get3A_18 = tpu.vector_load %arg7[%get3A_17] {strides = array<i32>} : memref<128xf32, #tpu.memory_space<vmem>>, vector<16xf32>,
    %get3A_19 = vector.shape_cast %get3A_18 : vector<16xf32> to vector<16xf32>
    %max3A = arith.maximumf %get3A_10, %get3A_13 : vector<16xf32>
    %max3A_20 = arith.maximumf %get3A_16, %get3A_19 : vector<16xf32>
    %max3A_21 = arith.maximumf %max3A, %max3A_20 : vector<16xf32>
    %le3A = arith.constant 1.500000e+00 : f32
    %le3A_22 = vector.broadcast %le3A : f32 to vector<16xf32>
    %le3A_23 = arith.cmpf ole, %max3A_21, %le3A_22 : vector<16xf32>
    %mul3A_24 = arith.mulf %get3A_10, %get3A_2 : vector<16xf32>
    %select_n3A = arith.select %le3A_23, %mul3A_24, %get3A_10 : vector<16xi1>, vector<16xf32>
    %mul3A_25 = arith.mulf %get3A_13, %get3A_2 : vector<16xf32>
    %select_n3A_26 = arith.select %le3A_23, %mul3A_25, %get3A_13 : vector<16xi1>, vector<16xf32>
    %mul3A_27 = arith.mulf %get3A_16, %get3A_2 : vector<16xf32>
    %select_n3A_28 = arith.select %le3A_23, %mul3A_27, %get3A_16 : vector<16xi1>, vector<16xf32>
    %mul3A_29 = arith.mulf %get3A_19, %get3A_2 : vector<16xf32>
    %select_n3A_30 = arith.select %le3A_23, %mul3A_29, %get3A_19 : vector<16xi1>, vector<16xf32>
    %add3A_31 = arith.addf %select_n3A, %select_n3A_28 : vector<16xf32>
    %mul3A_32 = arith.constant 5.000000e-01 : f32
    %mul3A_33 = vector.broadcast %mul3A_32 : f32 to vector<16xf32>
    %mul3A_34 = arith.mulf %add3A_31, %mul3A_33 : vector<16xf32>
    %add3A_35 = arith.addf %select_n3A_26, %select_n3A_30 : vector<16xf32>
    %mul3A_36 = arith.constant 5.000000e-01 : f32
    %mul3A_37 = vector.broadcast %mul3A_36 : f32 to vector<16xf32>
    %mul3A_38 = arith.mulf %add3A_35, %mul3A_37 : vector<16xf32>
    %div3A_39 = arith.divf %mul3A_34, %div3A_4 : vector<16xf32>
    %convert_element_type3A = arith.fptosi %div3A_39 : vector<16xf32> to vector<16xi32>
    %div3A_40 = arith.divf %mul3A_38, %div3A_7 : vector<16xf32>
    %convert_element_type3A_41 = arith.fptosi %div3A_40 : vector<16xf32> to vector<16xi32>
    %jit3A = arith.constant 0 : i32
    %jit3A_42 = arith.constant 39 : i32
    %max3A_43 = vector.broadcast %jit3A : i32 to vector<16xi32>
    %max3A_44 = arith.maxsi %max3A_43, %convert_element_type3A : vector<16xi32>
    %min3A = vector.broadcast %jit3A_42 : i32 to vector<16xi32>
    %min3A_45 = arith.minsi %min3A, %max3A_44 : vector<16xi32>
    %jit3A_46 = arith.constant 0 : i32
    %jit3A_47 = arith.constant 39 : i32
    %max3A_48 = vector.broadcast %jit3A_46 : i32 to vector<16xi32>
    %max3A_49 = arith.maxsi %max3A_48, %convert_element_type3A_41 : vector<16xi32>
    %min3A_50 = vector.broadcast %jit3A_47 : i32 to vector<16xi32>
    %min3A_51 = arith.minsi %min3A_50, %max3A_49 : vector<16xi32>
    %add3A_52 = arith.constant 0 : i32
    %add3A_53 = vector.broadcast %add3A_52 : i32 to vector<16xi32>
    %add3A_54 = arith.addi %add3A_53, %iota3A : vector<16xi32>
    %shift_right_logical3A = arith.constant 2 : i32
    %shift_right_logical3A_55 = vector.broadcast %shift_right_logical3A : i32 to vector<16xi32>
    %shift_right_logical3A_56 = arith.shrui %add3A_54, %shift_right_logical3A_55 : vector<16xi32>
    %mul3A_57 = arith.constant 1600 : i32
    %mul3A_58 = vector.broadcast %mul3A_57 : i32 to vector<16xi32>
    %mul3A_59 = arith.muli %shift_right_logical3A_56, %mul3A_58 : vector<16xi32>
    %mul3A_60 = arith.constant 40 : i32
    %mul3A_61 = vector.broadcast %mul3A_60 : i32 to vector<16xi32>
    %mul3A_62 = arith.muli %min3A_51, %mul3A_61 : vector<16xi32>
    %add3A_63 = arith.addi %mul3A_59, %mul3A_62 : vector<16xi32>
    %add3A_64 = arith.addi %add3A_63, %min3A_45 : vector<16xi32>
    %mul3A_65 = arith.constant 153 : i32
    %mul3A_66 = vector.broadcast %mul3A_65 : i32 to vector<16xi32>
    %mul3A_67 = arith.muli %add3A_64, %mul3A_66 : vector<16xi32>
    %get3A_68 = arith.constant 16 : index
    %get3A_69 = tpu.vector_load %arg7[%get3A_68] {strides = array<i32>} : memref<128xf32, #tpu.memory_space<vmem>>, vector<16xf32>,
    %get3A_70 = vector.shape_cast %get3A_69 : vector<16xf32> to vector<16xf32>
    %get3A_71 = arith.constant 48 : index
    %get3A_72 = tpu.vector_load %arg7[%get3A_71] {strides = array<i32>} : memref<128xf32, #tpu.memory_space<vmem>>, vector<16xf32>,
    %get3A_73 = vector.shape_cast %get3A_72 : vector<16xf32> to vector<16xf32>
    %get3A_74 = arith.constant 80 : index
    %get3A_75 = tpu.vector_load %arg7[%get3A_74] {strides = array<i32>} : memref<128xf32, #tpu.memory_space<vmem>>, vector<16xf32>,
    %get3A_76 = vector.shape_cast %get3A_75 : vector<16xf32> to vector<16xf32>
    %get3A_77 = arith.constant 112 : index
    %get3A_78 = tpu.vector_load %arg7[%get3A_77] {strides = array<i32>} : memref<128xf32, #tpu.memory_space<vmem>>, vector<16xf32>,
    %get3A_79 = vector.shape_cast %get3A_78 : vector<16xf32> to vector<16xf32>
    %max3A_80 = arith.maximumf %get3A_70, %get3A_73 : vector<16xf32>
    %max3A_81 = arith.maximumf %get3A_76, %get3A_79 : vector<16xf32>
    %max3A_82 = arith.maximumf %max3A_80, %max3A_81 : vector<16xf32>
    %le3A_83 = arith.constant 1.500000e+00 : f32
    %le3A_84 = vector.broadcast %le3A_83 : f32 to vector<16xf32>
    %le3A_85 = arith.cmpf ole, %max3A_82, %le3A_84 : vector<16xf32>
    %mul3A_86 = arith.mulf %get3A_70, %get3A_2 : vector<16xf32>
    %select_n3A_87 = arith.select %le3A_85, %mul3A_86, %get3A_70 : vector<16xi1>, vector<16xf32>
    %mul3A_88 = arith.mulf %get3A_73, %get3A_2 : vector<16xf32>
    %select_n3A_89 = arith.select %le3A_85, %mul3A_88, %get3A_73 : vector<16xi1>, vector<16xf32>
    %mul3A_90 = arith.mulf %get3A_76, %get3A_2 : vector<16xf32>
    %select_n3A_91 = arith.select %le3A_85, %mul3A_90, %get3A_76 : vector<16xi1>, vector<16xf32>
    %mul3A_92 = arith.mulf %get3A_79, %get3A_2 : vector<16xf32>
    %select_n3A_93 = arith.select %le3A_85, %mul3A_92, %get3A_79 : vector<16xi1>, vector<16xf32>
    %add3A_94 = arith.addf %select_n3A_87, %select_n3A_91 : vector<16xf32>
    %mul3A_95 = arith.constant 5.000000e-01 : f32
    %mul3A_96 = vector.broadcast %mul3A_95 : f32 to vector<16xf32>
    %mul3A_97 = arith.mulf %add3A_94, %mul3A_96 : vector<16xf32>
    %add3A_98 = arith.addf %select_n3A_89, %select_n3A_93 : vector<16xf32>
    %mul3A_99 = arith.constant 5.000000e-01 : f32
    %mul3A_100 = vector.broadcast %mul3A_99 : f32 to vector<16xf32>
    %mul3A_101 = arith.mulf %add3A_98, %mul3A_100 : vector<16xf32>
    %div3A_102 = arith.divf %mul3A_97, %div3A_4 : vector<16xf32>
    %convert_element_type3A_103 = arith.fptosi %div3A_102 : vector<16xf32> to vector<16xi32>
    %div3A_104 = arith.divf %mul3A_101, %div3A_7 : vector<16xf32>
    %convert_element_type3A_105 = arith.fptosi %div3A_104 : vector<16xf32> to vector<16xi32>
    %jit3A_106 = arith.constant 0 : i32
    %jit3A_107 = arith.constant 39 : i32
    %max3A_108 = vector.broadcast %jit3A_106 : i32 to vector<16xi32>
    %max3A_109 = arith.maxsi %max3A_108, %convert_element_type3A_103 : vector<16xi32>
    %min3A_110 = vector.broadcast %jit3A_107 : i32 to vector<16xi32>
    %min3A_111 = arith.minsi %min3A_110, %max3A_109 : vector<16xi32>
    %jit3A_112 = arith.constant 0 : i32
    %jit3A_113 = arith.constant 39 : i32
    %max3A_114 = vector.broadcast %jit3A_112 : i32 to vector<16xi32>
    %max3A_115 = arith.maxsi %max3A_114, %convert_element_type3A_105 : vector<16xi32>
    %min3A_116 = vector.broadcast %jit3A_113 : i32 to vector<16xi32>
    %min3A_117 = arith.minsi %min3A_116, %max3A_115 : vector<16xi32>
    %add3A_118 = arith.constant 16 : i32
    %add3A_119 = vector.broadcast %add3A_118 : i32 to vector<16xi32>
    %add3A_120 = arith.addi %add3A_119, %iota3A : vector<16xi32>
    %shift_right_logical3A_121 = arith.constant 2 : i32
    %shift_right_logical3A_122 = vector.broadcast %shift_right_logical3A_121 : i32 to vector<16xi32>
    %shift_right_logical3A_123 = arith.shrui %add3A_120, %shift_right_logical3A_122 : vector<16xi32>
    %mul3A_124 = arith.constant 1600 : i32
    %mul3A_125 = vector.broadcast %mul3A_124 : i32 to vector<16xi32>
    %mul3A_126 = arith.muli %shift_right_logical3A_123, %mul3A_125 : vector<16xi32>
    %mul3A_127 = arith.constant 40 : i32
    %mul3A_128 = vector.broadcast %mul3A_127 : i32 to vector<16xi32>
    %mul3A_129 = arith.muli %min3A_117, %mul3A_128 : vector<16xi32>
    %add3A_130 = arith.addi %mul3A_126, %mul3A_129 : vector<16xi32>
    %add3A_131 = arith.addi %add3A_130, %min3A_111 : vector<16xi32>
    %mul3A_132 = arith.constant 153 : i32
    %mul3A_133 = vector.broadcast %mul3A_132 : i32 to vector<16xi32>
    %mul3A_134 = arith.muli %add3A_131, %mul3A_133 : vector<16xi32>
    %broadcast_in_dim3A = arith.constant 0 : i32
    %broadcast_in_dim3A_135 = vector.broadcast %broadcast_in_dim3A : i32 to vector<16xi32>
    %add3A_136 = vector.broadcast %add3A : i32 to vector<16xi32>
    %add3A_137 = arith.addi %add3A_136, %broadcast_in_dim3A_135 : vector<16xi32>
    %shift_right_logical3A_138 = arith.constant 4 : i32
    %shift_right_logical3A_139 = vector.broadcast %shift_right_logical3A_138 : i32 to vector<16xi32>
    %shift_right_logical3A_140 = arith.shrui %add3A_137, %shift_right_logical3A_139 : vector<16xi32>
    %and3A = arith.constant 1 : i32
    %and3A_141 = vector.broadcast %and3A : i32 to vector<16xi32>
    %and3A_142 = arith.andi %shift_right_logical3A_140, %and3A_141 : vector<16xi32>
    %sub3A = arith.constant 1 : i32
    %sub3A_143 = vector.broadcast %sub3A : i32 to vector<16xi32>
    %sub3A_144 = arith.subi %sub3A_143, %and3A_142 : vector<16xi32>
    %mul3A_145 = arith.muli %mul3A_67, %sub3A_144 : vector<16xi32>
    %mul3A_146 = arith.muli %mul3A_134, %and3A_142 : vector<16xi32>
    %add3A_147 = arith.addi %mul3A_145, %mul3A_146 : vector<16xi32>
    %jit3A_148 = arith.constant 16 : i32
    %eq3A = arith.constant 0 : i32
    %eq3A_149 = arith.cmpi eq, %jit3A_148, %eq3A : i32
    %jit3A_150 = arith.constant 1 : i32
    %select_n3A_151 = arith.select %eq3A_149, %jit3A_150, %jit3A_148 : i32
    %rem3A = arith.remsi %add3A, %select_n3A_151 : i32
    %ne3A = arith.constant 0 : i32
    %ne3A_152 = arith.cmpi ne, %rem3A, %ne3A : i32
    %lt3A = arith.constant 0 : i32
    %lt3A_153 = arith.cmpi slt, %rem3A, %lt3A : i32
    %lt3A_154 = arith.constant 0 : i32
    %lt3A_155 = arith.cmpi slt, %select_n3A_151, %lt3A_154 : i32
    %ne3A_156 = arith.xori %lt3A_153, %lt3A_155 : i1
    %and3A_157 = arith.andi %ne3A_156, %ne3A_152 : i1
    %add3A_158 = arith.addi %rem3A, %select_n3A_151 : i32
    %select_n3A_159 = arith.select %and3A_157, %add3A_158, %rem3A : i32
    %mul3A_160 = arith.constant 10 : i32
    %mul3A_161 = arith.muli %select_n3A_159, %mul3A_160 : i32
    %add3A_162 = arith.constant 0 : i32
    %add3A_163 = arith.addi %mul3A_161, %add3A_162 : i32
    %add3A_164 = vector.broadcast %add3A_163 : i32 to vector<16xi32>
    %add3A_165 = arith.addi %add3A_147, %add3A_164 : vector<16xi32>
    %min3A_166 = arith.constant 1958399 : i32
    %min3A_167 = vector.broadcast %min3A_166 : i32 to vector<16xi32>
    %min3A_168 = arith.minsi %add3A_165, %min3A_167 : vector<16xi32>
    %dma_start3A = arith.constant 0 : i32
    %dma_start3A_169 = tpu.memref_slice %arg9[%dma_start3A] : memref<160xf32, #tpu.memory_space<vmem>> -> memref<16xf32, #tpu.memory_space<vmem>>
    %dma_start3A_170 = arith.constant 0 : i32
    %dma_start3A_171 = tpu.memref_slice %arg2[%dma_start3A_170] : memref<1958400xf32, #tpu.memory_space<hbm>> -> memref<1958400xf32, #tpu.memory_space<hbm>>
    tpu.enqueue_indirect_dma source(%dma_start3A_171 : memref<1958400xf32, #tpu.memory_space<hbm>>) target(%dma_start3A_169 : memref<16xf32, #tpu.memory_space<vmem>>) offsets(%min3A_168 : vector<16xi32>) semaphore(%arg11 : memref<!tpu.dma_semaphore, #tpu.memory_space<semaphore_mem>>)
    %mul3A_172 = arith.constant 10 : i32
    %mul3A_173 = arith.muli %select_n3A_159, %mul3A_172 : i32
    %add3A_174 = arith.constant 1 : i32
    %add3A_175 = arith.addi %mul3A_173, %add3A_174 : i32
    %add3A_176 = vector.broadcast %add3A_175 : i32 to vector<16xi32>
    %add3A_177 = arith.addi %add3A_147, %add3A_176 : vector<16xi32>
    %min3A_178 = arith.constant 1958399 : i32
    %min3A_179 = vector.broadcast %min3A_178 : i32 to vector<16xi32>
    %min3A_180 = arith.minsi %add3A_177, %min3A_179 : vector<16xi32>
    %dma_start3A_181 = arith.constant 16 : i32
    %dma_start3A_182 = tpu.memref_slice %arg9[%dma_start3A_181] : memref<160xf32, #tpu.memory_space<vmem>> -> memref<16xf32, #tpu.memory_space<vmem>>
    %dma_start3A_183 = arith.constant 0 : i32
    %dma_start3A_184 = tpu.memref_slice %arg2[%dma_start3A_183] : memref<1958400xf32, #tpu.memory_space<hbm>> -> memref<1958400xf32, #tpu.memory_space<hbm>>
    tpu.enqueue_indirect_dma source(%dma_start3A_184 : memref<1958400xf32, #tpu.memory_space<hbm>>) target(%dma_start3A_182 : memref<16xf32, #tpu.memory_space<vmem>>) offsets(%min3A_180 : vector<16xi32>) semaphore(%arg11 : memref<!tpu.dma_semaphore, #tpu.memory_space<semaphore_mem>>)
    %mul3A_185 = arith.constant 10 : i32
    %mul3A_186 = arith.muli %select_n3A_159, %mul3A_185 : i32
    %add3A_187 = arith.constant 2 : i32
    %add3A_188 = arith.addi %mul3A_186, %add3A_187 : i32
    %add3A_189 = vector.broadcast %add3A_188 : i32 to vector<16xi32>
    %add3A_190 = arith.addi %add3A_147, %add3A_189 : vector<16xi32>
    %min3A_191 = arith.constant 1958399 : i32
    %min3A_192 = vector.broadcast %min3A_191 : i32 to vector<16xi32>
    %min3A_193 = arith.minsi %add3A_190, %min3A_192 : vector<16xi32>
    %dma_start3A_194 = arith.constant 32 : i32
    %dma_start3A_195 = tpu.memref_slice %arg9[%dma_start3A_194] : memref<160xf32, #tpu.memory_space<vmem>> -> memref<16xf32, #tpu.memory_space<vmem>>
    %dma_start3A_196 = arith.constant 0 : i32
    %dma_start3A_197 = tpu.memref_slice %arg2[%dma_start3A_196] : memref<1958400xf32, #tpu.memory_space<hbm>> -> memref<1958400xf32, #tpu.memory_space<hbm>>
    tpu.enqueue_indirect_dma source(%dma_start3A_197 : memref<1958400xf32, #tpu.memory_space<hbm>>) target(%dma_start3A_195 : memref<16xf32, #tpu.memory_space<vmem>>) offsets(%min3A_193 : vector<16xi32>) semaphore(%arg11 : memref<!tpu.dma_semaphore, #tpu.memory_space<semaphore_mem>>)
    %mul3A_198 = arith.constant 10 : i32
    %mul3A_199 = arith.muli %select_n3A_159, %mul3A_198 : i32
    %add3A_200 = arith.constant 3 : i32
    %add3A_201 = arith.addi %mul3A_199, %add3A_200 : i32
    %add3A_202 = vector.broadcast %add3A_201 : i32 to vector<16xi32>
    %add3A_203 = arith.addi %add3A_147, %add3A_202 : vector<16xi32>
    %min3A_204 = arith.constant 1958399 : i32
    %min3A_205 = vector.broadcast %min3A_204 : i32 to vector<16xi32>
    %min3A_206 = arith.minsi %add3A_203, %min3A_205 : vector<16xi32>
    %dma_start3A_207 = arith.constant 48 : i32
    %dma_start3A_208 = tpu.memref_slice %arg9[%dma_start3A_207] : memref<160xf32, #tpu.memory_space<vmem>> -> memref<16xf32, #tpu.memory_space<vmem>>
    %dma_start3A_209 = arith.constant 0 : i32
    %dma_start3A_210 = tpu.memref_slice %arg2[%dma_start3A_209] : memref<1958400xf32, #tpu.memory_space<hbm>> -> memref<1958400xf32, #tpu.memory_space<hbm>>
    tpu.enqueue_indirect_dma source(%dma_start3A_210 : memref<1958400xf32, #tpu.memory_space<hbm>>) target(%dma_start3A_208 : memref<16xf32, #tpu.memory_space<vmem>>) offsets(%min3A_206 : vector<16xi32>) semaphore(%arg11 : memref<!tpu.dma_semaphore, #tpu.memory_space<semaphore_mem>>)
    %mul3A_211 = arith.constant 10 : i32
    %mul3A_212 = arith.muli %select_n3A_159, %mul3A_211 : i32
    %add3A_213 = arith.constant 4 : i32
    %add3A_214 = arith.addi %mul3A_212, %add3A_213 : i32
    %add3A_215 = vector.broadcast %add3A_214 : i32 to vector<16xi32>
    %add3A_216 = arith.addi %add3A_147, %add3A_215 : vector<16xi32>
    %min3A_217 = arith.constant 1958399 : i32
    %min3A_218 = vector.broadcast %min3A_217 : i32 to vector<16xi32>
    %min3A_219 = arith.minsi %add3A_216, %min3A_218 : vector<16xi32>
    %dma_start3A_220 = arith.constant 64 : i32
    %dma_start3A_221 = tpu.memref_slice %arg9[%dma_start3A_220] : memref<160xf32, #tpu.memory_space<vmem>> -> memref<16xf32, #tpu.memory_space<vmem>>
    %dma_start3A_222 = arith.constant 0 : i32
    %dma_start3A_223 = tpu.memref_slice %arg2[%dma_start3A_222] : memref<1958400xf32, #tpu.memory_space<hbm>> -> memref<1958400xf32, #tpu.memory_space<hbm>>
    tpu.enqueue_indirect_dma source(%dma_start3A_223 : memref<1958400xf32, #tpu.memory_space<hbm>>) target(%dma_start3A_221 : memref<16xf32, #tpu.memory_space<vmem>>) offsets(%min3A_219 : vector<16xi32>) semaphore(%arg11 : memref<!tpu.dma_semaphore, #tpu.memory_space<semaphore_mem>>)
    %mul3A_224 = arith.constant 10 : i32
    %mul3A_225 = arith.muli %select_n3A_159, %mul3A_224 : i32
    %add3A_226 = arith.constant 5 : i32
    %add3A_227 = arith.addi %mul3A_225, %add3A_226 : i32
    %add3A_228 = vector.broadcast %add3A_227 : i32 to vector<16xi32>
    %add3A_229 = arith.addi %add3A_147, %add3A_228 : vector<16xi32>
    %min3A_230 = arith.constant 1958399 : i32
    %min3A_231 = vector.broadcast %min3A_230 : i32 to vector<16xi32>
    %min3A_232 = arith.minsi %add3A_229, %min3A_231 : vector<16xi32>
    %dma_start3A_233 = arith.constant 80 : i32
    %dma_start3A_234 = tpu.memref_slice %arg9[%dma_start3A_233] : memref<160xf32, #tpu.memory_space<vmem>> -> memref<16xf32, #tpu.memory_space<vmem>>
    %dma_start3A_235 = arith.constant 0 : i32
    %dma_start3A_236 = tpu.memref_slice %arg2[%dma_start3A_235] : memref<1958400xf32, #tpu.memory_space<hbm>> -> memref<1958400xf32, #tpu.memory_space<hbm>>
    tpu.enqueue_indirect_dma source(%dma_start3A_236 : memref<1958400xf32, #tpu.memory_space<hbm>>) target(%dma_start3A_234 : memref<16xf32, #tpu.memory_space<vmem>>) offsets(%min3A_232 : vector<16xi32>) semaphore(%arg11 : memref<!tpu.dma_semaphore, #tpu.memory_space<semaphore_mem>>)
    %mul3A_237 = arith.constant 10 : i32
    %mul3A_238 = arith.muli %select_n3A_159, %mul3A_237 : i32
    %add3A_239 = arith.constant 6 : i32
    %add3A_240 = arith.addi %mul3A_238, %add3A_239 : i32
    %add3A_241 = vector.broadcast %add3A_240 : i32 to vector<16xi32>
    %add3A_242 = arith.addi %add3A_147, %add3A_241 : vector<16xi32>
    %min3A_243 = arith.constant 1958399 : i32
    %min3A_244 = vector.broadcast %min3A_243 : i32 to vector<16xi32>
    %min3A_245 = arith.minsi %add3A_242, %min3A_244 : vector<16xi32>
    %dma_start3A_246 = arith.constant 96 : i32
    %dma_start3A_247 = tpu.memref_slice %arg9[%dma_start3A_246] : memref<160xf32, #tpu.memory_space<vmem>> -> memref<16xf32, #tpu.memory_space<vmem>>
    %dma_start3A_248 = arith.constant 0 : i32
    %dma_start3A_249 = tpu.memref_slice %arg2[%dma_start3A_248] : memref<1958400xf32, #tpu.memory_space<hbm>> -> memref<1958400xf32, #tpu.memory_space<hbm>>
    tpu.enqueue_indirect_dma source(%dma_start3A_249 : memref<1958400xf32, #tpu.memory_space<hbm>>) target(%dma_start3A_247 : memref<16xf32, #tpu.memory_space<vmem>>) offsets(%min3A_245 : vector<16xi32>) semaphore(%arg11 : memref<!tpu.dma_semaphore, #tpu.memory_space<semaphore_mem>>)
    %mul3A_250 = arith.constant 10 : i32
    %mul3A_251 = arith.muli %select_n3A_159, %mul3A_250 : i32
    %add3A_252 = arith.constant 7 : i32
    %add3A_253 = arith.addi %mul3A_251, %add3A_252 : i32
    %add3A_254 = vector.broadcast %add3A_253 : i32 to vector<16xi32>
    %add3A_255 = arith.addi %add3A_147, %add3A_254 : vector<16xi32>
    %min3A_256 = arith.constant 1958399 : i32
    %min3A_257 = vector.broadcast %min3A_256 : i32 to vector<16xi32>
    %min3A_258 = arith.minsi %add3A_255, %min3A_257 : vector<16xi32>
    %dma_start3A_259 = arith.constant 112 : i32
    %dma_start3A_260 = tpu.memref_slice %arg9[%dma_start3A_259] : memref<160xf32, #tpu.memory_space<vmem>> -> memref<16xf32, #tpu.memory_space<vmem>>
    %dma_start3A_261 = arith.constant 0 : i32
    %dma_start3A_262 = tpu.memref_slice %arg2[%dma_start3A_261] : memref<1958400xf32, #tpu.memory_space<hbm>> -> memref<1958400xf32, #tpu.memory_space<hbm>>
    tpu.enqueue_indirect_dma source(%dma_start3A_262 : memref<1958400xf32, #tpu.memory_space<hbm>>) target(%dma_start3A_260 : memref<16xf32, #tpu.memory_space<vmem>>) offsets(%min3A_258 : vector<16xi32>) semaphore(%arg11 : memref<!tpu.dma_semaphore, #tpu.memory_space<semaphore_mem>>)
    %mul3A_263 = arith.constant 10 : i32
    %mul3A_264 = arith.muli %select_n3A_159, %mul3A_263 : i32
    %add3A_265 = arith.constant 8 : i32
    %add3A_266 = arith.addi %mul3A_264, %add3A_265 : i32
    %add3A_267 = vector.broadcast %add3A_266 : i32 to vector<16xi32>
    %add3A_268 = arith.addi %add3A_147, %add3A_267 : vector<16xi32>
    %min3A_269 = arith.constant 1958399 : i32
    %min3A_270 = vector.broadcast %min3A_269 : i32 to vector<16xi32>
    %min3A_271 = arith.minsi %add3A_268, %min3A_270 : vector<16xi32>
    %dma_start3A_272 = arith.constant 128 : i32
    %dma_start3A_273 = tpu.memref_slice %arg9[%dma_start3A_272] : memref<160xf32, #tpu.memory_space<vmem>> -> memref<16xf32, #tpu.memory_space<vmem>>
    %dma_start3A_274 = arith.constant 0 : i32
    %dma_start3A_275 = tpu.memref_slice %arg2[%dma_start3A_274] : memref<1958400xf32, #tpu.memory_space<hbm>> -> memref<1958400xf32, #tpu.memory_space<hbm>>
    tpu.enqueue_indirect_dma source(%dma_start3A_275 : memref<1958400xf32, #tpu.memory_space<hbm>>) target(%dma_start3A_273 : memref<16xf32, #tpu.memory_space<vmem>>) offsets(%min3A_271 : vector<16xi32>) semaphore(%arg11 : memref<!tpu.dma_semaphore, #tpu.memory_space<semaphore_mem>>)
    %mul3A_276 = arith.constant 10 : i32
    %mul3A_277 = arith.muli %select_n3A_159, %mul3A_276 : i32
    %add3A_278 = arith.constant 9 : i32
    %add3A_279 = arith.addi %mul3A_277, %add3A_278 : i32
    %add3A_280 = vector.broadcast %add3A_279 : i32 to vector<16xi32>
    %add3A_281 = arith.addi %add3A_147, %add3A_280 : vector<16xi32>
    %min3A_282 = arith.constant 1958399 : i32
    %min3A_283 = vector.broadcast %min3A_282 : i32 to vector<16xi32>
    %min3A_284 = arith.minsi %add3A_281, %min3A_283 : vector<16xi32>
    %dma_start3A_285 = arith.constant 144 : i32
    %dma_start3A_286 = tpu.memref_slice %arg9[%dma_start3A_285] : memref<160xf32, #tpu.memory_space<vmem>> -> memref<16xf32, #tpu.memory_space<vmem>>
    %dma_start3A_287 = arith.constant 0 : i32
    %dma_start3A_288 = tpu.memref_slice %arg2[%dma_start3A_287] : memref<1958400xf32, #tpu.memory_space<hbm>> -> memref<1958400xf32, #tpu.memory_space<hbm>>
    tpu.enqueue_indirect_dma source(%dma_start3A_288 : memref<1958400xf32, #tpu.memory_space<hbm>>) target(%dma_start3A_286 : memref<16xf32, #tpu.memory_space<vmem>>) offsets(%min3A_284 : vector<16xi32>) semaphore(%arg11 : memref<!tpu.dma_semaphore, #tpu.memory_space<semaphore_mem>>)
    %mul3A_289 = arith.constant 400 : i32
    %mul3A_290 = arith.muli %add3A, %mul3A_289 : i32
    %add3A_291 = arith.constant 0 : i32
    %add3A_292 = arith.addi %mul3A_290, %add3A_291 : i32
    %add3A_293 = vector.broadcast %add3A_292 : i32 to vector<16xi32>
    %add3A_294 = arith.addi %add3A_293, %iota3A : vector<16xi32>
    %mul3A_295 = arith.constant 153 : i32
    %mul3A_296 = vector.broadcast %mul3A_295 : i32 to vector<16xi32>
    %mul3A_297 = arith.muli %add3A_294, %mul3A_296 : vector<16xi32>
    %dma_start3A_298 = arith.constant 0 : i32
    %dma_start3A_299 = tpu.memref_slice %arg10[%dma_start3A_298] : memref<400xf32, #tpu.memory_space<vmem>> -> memref<16xf32, #tpu.memory_space<vmem>>
    %dma_start3A_300 = arith.constant 0 : i32
    %dma_start3A_301 = tpu.memref_slice %arg2[%dma_start3A_300] : memref<1958400xf32, #tpu.memory_space<hbm>> -> memref<1958400xf32, #tpu.memory_space<hbm>>
    tpu.enqueue_indirect_dma source(%dma_start3A_301 : memref<1958400xf32, #tpu.memory_space<hbm>>) target(%dma_start3A_299 : memref<16xf32, #tpu.memory_space<vmem>>) offsets(%mul3A_297 : vector<16xi32>) semaphore(%arg11 : memref<!tpu.dma_semaphore, #tpu.memory_space<semaphore_mem>>)
    %add3A_302 = arith.constant 16 : i32
    %add3A_303 = arith.addi %mul3A_290, %add3A_302 : i32
    %add3A_304 = vector.broadcast %add3A_303 : i32 to vector<16xi32>
    %add3A_305 = arith.addi %add3A_304, %iota3A : vector<16xi32>
    %mul3A_306 = arith.constant 153 : i32
    %mul3A_307 = vector.broadcast %mul3A_306 : i32 to vector<16xi32>
    %mul3A_308 = arith.muli %add3A_305, %mul3A_307 : vector<16xi32>
    %dma_start3A_309 = arith.constant 16 : i32
    %dma_start3A_310 = tpu.memref_slice %arg10[%dma_start3A_309] : memref<400xf32, #tpu.memory_space<vmem>> -> memref<16xf32, #tpu.memory_space<vmem>>
    %dma_start3A_311 = arith.constant 0 : i32
    %dma_start3A_312 = tpu.memref_slice %arg2[%dma_start3A_311] : memref<1958400xf32, #tpu.memory_space<hbm>> -> memref<1958400xf32, #tpu.memory_space<hbm>>
    tpu.enqueue_indirect_dma source(%dma_start3A_312 : memref<1958400xf32, #tpu.memory_space<hbm>>) target(%dma_start3A_310 : memref<16xf32, #tpu.memory_space<vmem>>) offsets(%mul3A_308 : vector<16xi32>) semaphore(%arg11 : memref<!tpu.dma_semaphore, #tpu.memory_space<semaphore_mem>>)
    %add3A_313 = arith.constant 32 : i32
    %add3A_314 = arith.addi %mul3A_290, %add3A_313 : i32
    %add3A_315 = vector.broadcast %add3A_314 : i32 to vector<16xi32>
    %add3A_316 = arith.addi %add3A_315, %iota3A : vector<16xi32>
    %mul3A_317 = arith.constant 153 : i32
    %mul3A_318 = vector.broadcast %mul3A_317 : i32 to vector<16xi32>
    %mul3A_319 = arith.muli %add3A_316, %mul3A_318 : vector<16xi32>
    %dma_start3A_320 = arith.constant 32 : i32
    %dma_start3A_321 = tpu.memref_slice %arg10[%dma_start3A_320] : memref<400xf32, #tpu.memory_space<vmem>> -> memref<16xf32, #tpu.memory_space<vmem>>
    %dma_start3A_322 = arith.constant 0 : i32
    %dma_start3A_323 = tpu.memref_slice %arg2[%dma_start3A_322] : memref<1958400xf32, #tpu.memory_space<hbm>> -> memref<1958400xf32, #tpu.memory_space<hbm>>
    tpu.enqueue_indirect_dma source(%dma_start3A_323 : memref<1958400xf32, #tpu.memory_space<hbm>>) target(%dma_start3A_321 : memref<16xf32, #tpu.memory_space<vmem>>) offsets(%mul3A_319 : vector<16xi32>) semaphore(%arg11 : memref<!tpu.dma_semaphore, #tpu.memory_space<semaphore_mem>>)
    %add3A_324 = arith.constant 48 : i32
    %add3A_325 = arith.addi %mul3A_290, %add3A_324 : i32
    %add3A_326 = vector.broadcast %add3A_325 : i32 to vector<16xi32>
    %add3A_327 = arith.addi %add3A_326, %iota3A : vector<16xi32>
    %mul3A_328 = arith.constant 153 : i32
    %mul3A_329 = vector.broadcast %mul3A_328 : i32 to vector<16xi32>
    %mul3A_330 = arith.muli %add3A_327, %mul3A_329 : vector<16xi32>
    %dma_start3A_331 = arith.constant 48 : i32
    %dma_start3A_332 = tpu.memref_slice %arg10[%dma_start3A_331] : memref<400xf32, #tpu.memory_space<vmem>> -> memref<16xf32, #tpu.memory_space<vmem>>
    %dma_start3A_333 = arith.constant 0 : i32
    %dma_start3A_334 = tpu.memref_slice %arg2[%dma_start3A_333] : memref<1958400xf32, #tpu.memory_space<hbm>> -> memref<1958400xf32, #tpu.memory_space<hbm>>
    tpu.enqueue_indirect_dma source(%dma_start3A_334 : memref<1958400xf32, #tpu.memory_space<hbm>>) target(%dma_start3A_332 : memref<16xf32, #tpu.memory_space<vmem>>) offsets(%mul3A_330 : vector<16xi32>) semaphore(%arg11 : memref<!tpu.dma_semaphore, #tpu.memory_space<semaphore_mem>>)
    %add3A_335 = arith.constant 64 : i32
    %add3A_336 = arith.addi %mul3A_290, %add3A_335 : i32
    %add3A_337 = vector.broadcast %add3A_336 : i32 to vector<16xi32>
    %add3A_338 = arith.addi %add3A_337, %iota3A : vector<16xi32>
    %mul3A_339 = arith.constant 153 : i32
    %mul3A_340 = vector.broadcast %mul3A_339 : i32 to vector<16xi32>
    %mul3A_341 = arith.muli %add3A_338, %mul3A_340 : vector<16xi32>
    %dma_start3A_342 = arith.constant 64 : i32
    %dma_start3A_343 = tpu.memref_slice %arg10[%dma_start3A_342] : memref<400xf32, #tpu.memory_space<vmem>> -> memref<16xf32, #tpu.memory_space<vmem>>
    %dma_start3A_344 = arith.constant 0 : i32
    %dma_start3A_345 = tpu.memref_slice %arg2[%dma_start3A_344] : memref<1958400xf32, #tpu.memory_space<hbm>> -> memref<1958400xf32, #tpu.memory_space<hbm>>
    tpu.enqueue_indirect_dma source(%dma_start3A_345 : memref<1958400xf32, #tpu.memory_space<hbm>>) target(%dma_start3A_343 : memref<16xf32, #tpu.memory_space<vmem>>) offsets(%mul3A_341 : vector<16xi32>) semaphore(%arg11 : memref<!tpu.dma_semaphore, #tpu.memory_space<semaphore_mem>>)
    %add3A_346 = arith.constant 80 : i32
    %add3A_347 = arith.addi %mul3A_290, %add3A_346 : i32
    %add3A_348 = vector.broadcast %add3A_347 : i32 to vector<16xi32>
    %add3A_349 = arith.addi %add3A_348, %iota3A : vector<16xi32>
    %mul3A_350 = arith.constant 153 : i32
    %mul3A_351 = vector.broadcast %mul3A_350 : i32 to vector<16xi32>
    %mul3A_352 = arith.muli %add3A_349, %mul3A_351 : vector<16xi32>
    %dma_start3A_353 = arith.constant 80 : i32
    %dma_start3A_354 = tpu.memref_slice %arg10[%dma_start3A_353] : memref<400xf32, #tpu.memory_space<vmem>> -> memref<16xf32, #tpu.memory_space<vmem>>
    %dma_start3A_355 = arith.constant 0 : i32
    %dma_start3A_356 = tpu.memref_slice %arg2[%dma_start3A_355] : memref<1958400xf32, #tpu.memory_space<hbm>> -> memref<1958400xf32, #tpu.memory_space<hbm>>
    tpu.enqueue_indirect_dma source(%dma_start3A_356 : memref<1958400xf32, #tpu.memory_space<hbm>>) target(%dma_start3A_354 : memref<16xf32, #tpu.memory_space<vmem>>) offsets(%mul3A_352 : vector<16xi32>) semaphore(%arg11 : memref<!tpu.dma_semaphore, #tpu.memory_space<semaphore_mem>>)
    %add3A_357 = arith.constant 96 : i32
    %add3A_358 = arith.addi %mul3A_290, %add3A_357 : i32
    %add3A_359 = vector.broadcast %add3A_358 : i32 to vector<16xi32>
    %add3A_360 = arith.addi %add3A_359, %iota3A : vector<16xi32>
    %mul3A_361 = arith.constant 153 : i32
    %mul3A_362 = vector.broadcast %mul3A_361 : i32 to vector<16xi32>
    %mul3A_363 = arith.muli %add3A_360, %mul3A_362 : vector<16xi32>
    %dma_start3A_364 = arith.constant 96 : i32
    %dma_start3A_365 = tpu.memref_slice %arg10[%dma_start3A_364] : memref<400xf32, #tpu.memory_space<vmem>> -> memref<16xf32, #tpu.memory_space<vmem>>
    %dma_start3A_366 = arith.constant 0 : i32
    %dma_start3A_367 = tpu.memref_slice %arg2[%dma_start3A_366] : memref<1958400xf32, #tpu.memory_space<hbm>> -> memref<1958400xf32, #tpu.memory_space<hbm>>
    tpu.enqueue_indirect_dma source(%dma_start3A_367 : memref<1958400xf32, #tpu.memory_space<hbm>>) target(%dma_start3A_365 : memref<16xf32, #tpu.memory_space<vmem>>) offsets(%mul3A_363 : vector<16xi32>) semaphore(%arg11 : memref<!tpu.dma_semaphore, #tpu.memory_space<semaphore_mem>>)
    %add3A_368 = arith.constant 112 : i32
    %add3A_369 = arith.addi %mul3A_290, %add3A_368 : i32
    %add3A_370 = vector.broadcast %add3A_369 : i32 to vector<16xi32>
    %add3A_371 = arith.addi %add3A_370, %iota3A : vector<16xi32>
    %mul3A_372 = arith.constant 153 : i32
    %mul3A_373 = vector.broadcast %mul3A_372 : i32 to vector<16xi32>
    %mul3A_374 = arith.muli %add3A_371, %mul3A_373 : vector<16xi32>
    %dma_start3A_375 = arith.constant 112 : i32
    %dma_start3A_376 = tpu.memref_slice %arg10[%dma_start3A_375] : memref<400xf32, #tpu.memory_space<vmem>> -> memref<16xf32, #tpu.memory_space<vmem>>
    %dma_start3A_377 = arith.constant 0 : i32
    %dma_start3A_378 = tpu.memref_slice %arg2[%dma_start3A_377] : memref<1958400xf32, #tpu.memory_space<hbm>> -> memref<1958400xf32, #tpu.memory_space<hbm>>
    tpu.enqueue_indirect_dma source(%dma_start3A_378 : memref<1958400xf32, #tpu.memory_space<hbm>>) target(%dma_start3A_376 : memref<16xf32, #tpu.memory_space<vmem>>) offsets(%mul3A_374 : vector<16xi32>) semaphore(%arg11 : memref<!tpu.dma_semaphore, #tpu.memory_space<semaphore_mem>>)
    %add3A_379 = arith.constant 128 : i32
    %add3A_380 = arith.addi %mul3A_290, %add3A_379 : i32
    %add3A_381 = vector.broadcast %add3A_380 : i32 to vector<16xi32>
    %add3A_382 = arith.addi %add3A_381, %iota3A : vector<16xi32>
    %mul3A_383 = arith.constant 153 : i32
    %mul3A_384 = vector.broadcast %mul3A_383 : i32 to vector<16xi32>
    %mul3A_385 = arith.muli %add3A_382, %mul3A_384 : vector<16xi32>
    %dma_start3A_386 = arith.constant 128 : i32
    %dma_start3A_387 = tpu.memref_slice %arg10[%dma_start3A_386] : memref<400xf32, #tpu.memory_space<vmem>> -> memref<16xf32, #tpu.memory_space<vmem>>
    %dma_start3A_388 = arith.constant 0 : i32
    %dma_start3A_389 = tpu.memref_slice %arg2[%dma_start3A_388] : memref<1958400xf32, #tpu.memory_space<hbm>> -> memref<1958400xf32, #tpu.memory_space<hbm>>
    tpu.enqueue_indirect_dma source(%dma_start3A_389 : memref<1958400xf32, #tpu.memory_space<hbm>>) target(%dma_start3A_387 : memref<16xf32, #tpu.memory_space<vmem>>) offsets(%mul3A_385 : vector<16xi32>) semaphore(%arg11 : memref<!tpu.dma_semaphore, #tpu.memory_space<semaphore_mem>>)
    %add3A_390 = arith.constant 144 : i32
    %add3A_391 = arith.addi %mul3A_290, %add3A_390 : i32
    %add3A_392 = vector.broadcast %add3A_391 : i32 to vector<16xi32>
    %add3A_393 = arith.addi %add3A_392, %iota3A : vector<16xi32>
    %mul3A_394 = arith.constant 153 : i32
    %mul3A_395 = vector.broadcast %mul3A_394 : i32 to vector<16xi32>
    %mul3A_396 = arith.muli %add3A_393, %mul3A_395 : vector<16xi32>
    %dma_start3A_397 = arith.constant 144 : i32
    %dma_start3A_398 = tpu.memref_slice %arg10[%dma_start3A_397] : memref<400xf32, #tpu.memory_space<vmem>> -> memref<16xf32, #tpu.memory_space<vmem>>
    %dma_start3A_399 = arith.constant 0 : i32
    %dma_start3A_400 = tpu.memref_slice %arg2[%dma_start3A_399] : memref<1958400xf32, #tpu.memory_space<hbm>> -> memref<1958400xf32, #tpu.memory_space<hbm>>
    tpu.enqueue_indirect_dma source(%dma_start3A_400 : memref<1958400xf32, #tpu.memory_space<hbm>>) target(%dma_start3A_398 : memref<16xf32, #tpu.memory_space<vmem>>) offsets(%mul3A_396 : vector<16xi32>) semaphore(%arg11 : memref<!tpu.dma_semaphore, #tpu.memory_space<semaphore_mem>>)
    %add3A_401 = arith.constant 160 : i32
    %add3A_402 = arith.addi %mul3A_290, %add3A_401 : i32
    %add3A_403 = vector.broadcast %add3A_402 : i32 to vector<16xi32>
    %add3A_404 = arith.addi %add3A_403, %iota3A : vector<16xi32>
    %mul3A_405 = arith.constant 153 : i32
    %mul3A_406 = vector.broadcast %mul3A_405 : i32 to vector<16xi32>
    %mul3A_407 = arith.muli %add3A_404, %mul3A_406 : vector<16xi32>
    %dma_start3A_408 = arith.constant 160 : i32
    %dma_start3A_409 = tpu.memref_slice %arg10[%dma_start3A_408] : memref<400xf32, #tpu.memory_space<vmem>> -> memref<16xf32, #tpu.memory_space<vmem>>
    %dma_start3A_410 = arith.constant 0 : i32
    %dma_start3A_411 = tpu.memref_slice %arg2[%dma_start3A_410] : memref<1958400xf32, #tpu.memory_space<hbm>> -> memref<1958400xf32, #tpu.memory_space<hbm>>
    tpu.enqueue_indirect_dma source(%dma_start3A_411 : memref<1958400xf32, #tpu.memory_space<hbm>>) target(%dma_start3A_409 : memref<16xf32, #tpu.memory_space<vmem>>) offsets(%mul3A_407 : vector<16xi32>) semaphore(%arg11 : memref<!tpu.dma_semaphore, #tpu.memory_space<semaphore_mem>>)
    %add3A_412 = arith.constant 176 : i32
    %add3A_413 = arith.addi %mul3A_290, %add3A_412 : i32
    %add3A_414 = vector.broadcast %add3A_413 : i32 to vector<16xi32>
    %add3A_415 = arith.addi %add3A_414, %iota3A : vector<16xi32>
    %mul3A_416 = arith.constant 153 : i32
    %mul3A_417 = vector.broadcast %mul3A_416 : i32 to vector<16xi32>
    %mul3A_418 = arith.muli %add3A_415, %mul3A_417 : vector<16xi32>
    %dma_start3A_419 = arith.constant 176 : i32
    %dma_start3A_420 = tpu.memref_slice %arg10[%dma_start3A_419] : memref<400xf32, #tpu.memory_space<vmem>> -> memref<16xf32, #tpu.memory_space<vmem>>
    %dma_start3A_421 = arith.constant 0 : i32
    %dma_start3A_422 = tpu.memref_slice %arg2[%dma_start3A_421] : memref<1958400xf32, #tpu.memory_space<hbm>> -> memref<1958400xf32, #tpu.memory_space<hbm>>
    tpu.enqueue_indirect_dma source(%dma_start3A_422 : memref<1958400xf32, #tpu.memory_space<hbm>>) target(%dma_start3A_420 : memref<16xf32, #tpu.memory_space<vmem>>) offsets(%mul3A_418 : vector<16xi32>) semaphore(%arg11 : memref<!tpu.dma_semaphore, #tpu.memory_space<semaphore_mem>>)
    %add3A_423 = arith.constant 192 : i32
    %add3A_424 = arith.addi %mul3A_290, %add3A_423 : i32
    %add3A_425 = vector.broadcast %add3A_424 : i32 to vector<16xi32>
    %add3A_426 = arith.addi %add3A_425, %iota3A : vector<16xi32>
    %mul3A_427 = arith.constant 153 : i32
    %mul3A_428 = vector.broadcast %mul3A_427 : i32 to vector<16xi32>
    %mul3A_429 = arith.muli %add3A_426, %mul3A_428 : vector<16xi32>
    %dma_start3A_430 = arith.constant 192 : i32
    %dma_start3A_431 = tpu.memref_slice %arg10[%dma_start3A_430] : memref<400xf32, #tpu.memory_space<vmem>> -> memref<16xf32, #tpu.memory_space<vmem>>
    %dma_start3A_432 = arith.constant 0 : i32
    %dma_start3A_433 = tpu.memref_slice %arg2[%dma_start3A_432] : memref<1958400xf32, #tpu.memory_space<hbm>> -> memref<1958400xf32, #tpu.memory_space<hbm>>
    tpu.enqueue_indirect_dma source(%dma_start3A_433 : memref<1958400xf32, #tpu.memory_space<hbm>>) target(%dma_start3A_431 : memref<16xf32, #tpu.memory_space<vmem>>) offsets(%mul3A_429 : vector<16xi32>) semaphore(%arg11 : memref<!tpu.dma_semaphore, #tpu.memory_space<semaphore_mem>>)
    %add3A_434 = arith.constant 208 : i32
    %add3A_435 = arith.addi %mul3A_290, %add3A_434 : i32
    %add3A_436 = vector.broadcast %add3A_435 : i32 to vector<16xi32>
    %add3A_437 = arith.addi %add3A_436, %iota3A : vector<16xi32>
    %mul3A_438 = arith.constant 153 : i32
    %mul3A_439 = vector.broadcast %mul3A_438 : i32 to vector<16xi32>
    %mul3A_440 = arith.muli %add3A_437, %mul3A_439 : vector<16xi32>
    %dma_start3A_441 = arith.constant 208 : i32
    %dma_start3A_442 = tpu.memref_slice %arg10[%dma_start3A_441] : memref<400xf32, #tpu.memory_space<vmem>> -> memref<16xf32, #tpu.memory_space<vmem>>
    %dma_start3A_443 = arith.constant 0 : i32
    %dma_start3A_444 = tpu.memref_slice %arg2[%dma_start3A_443] : memref<1958400xf32, #tpu.memory_space<hbm>> -> memref<1958400xf32, #tpu.memory_space<hbm>>
    tpu.enqueue_indirect_dma source(%dma_start3A_444 : memref<1958400xf32, #tpu.memory_space<hbm>>) target(%dma_start3A_442 : memref<16xf32, #tpu.memory_space<vmem>>) offsets(%mul3A_440 : vector<16xi32>) semaphore(%arg11 : memref<!tpu.dma_semaphore, #tpu.memory_space<semaphore_mem>>)
    %add3A_445 = arith.constant 224 : i32
    %add3A_446 = arith.addi %mul3A_290, %add3A_445 : i32
    %add3A_447 = vector.broadcast %add3A_446 : i32 to vector<16xi32>
    %add3A_448 = arith.addi %add3A_447, %iota3A : vector<16xi32>
    %mul3A_449 = arith.constant 153 : i32
    %mul3A_450 = vector.broadcast %mul3A_449 : i32 to vector<16xi32>
    %mul3A_451 = arith.muli %add3A_448, %mul3A_450 : vector<16xi32>
    %dma_start3A_452 = arith.constant 224 : i32
    %dma_start3A_453 = tpu.memref_slice %arg10[%dma_start3A_452] : memref<400xf32, #tpu.memory_space<vmem>> -> memref<16xf32, #tpu.memory_space<vmem>>
    %dma_start3A_454 = arith.constant 0 : i32
    %dma_start3A_455 = tpu.memref_slice %arg2[%dma_start3A_454] : memref<1958400xf32, #tpu.memory_space<hbm>> -> memref<1958400xf32, #tpu.memory_space<hbm>>
    tpu.enqueue_indirect_dma source(%dma_start3A_455 : memref<1958400xf32, #tpu.memory_space<hbm>>) target(%dma_start3A_453 : memref<16xf32, #tpu.memory_space<vmem>>) offsets(%mul3A_451 : vector<16xi32>) semaphore(%arg11 : memref<!tpu.dma_semaphore, #tpu.memory_space<semaphore_mem>>)
    %add3A_456 = arith.constant 240 : i32
    %add3A_457 = arith.addi %mul3A_290, %add3A_456 : i32
    %add3A_458 = vector.broadcast %add3A_457 : i32 to vector<16xi32>
    %add3A_459 = arith.addi %add3A_458, %iota3A : vector<16xi32>
    %mul3A_460 = arith.constant 153 : i32
    %mul3A_461 = vector.broadcast %mul3A_460 : i32 to vector<16xi32>
    %mul3A_462 = arith.muli %add3A_459, %mul3A_461 : vector<16xi32>
    %dma_start3A_463 = arith.constant 240 : i32
    %dma_start3A_464 = tpu.memref_slice %arg10[%dma_start3A_463] : memref<400xf32, #tpu.memory_space<vmem>> -> memref<16xf32, #tpu.memory_space<vmem>>
    %dma_start3A_465 = arith.constant 0 : i32
    %dma_start3A_466 = tpu.memref_slice %arg2[%dma_start3A_465] : memref<1958400xf32, #tpu.memory_space<hbm>> -> memref<1958400xf32, #tpu.memory_space<hbm>>
    tpu.enqueue_indirect_dma source(%dma_start3A_466 : memref<1958400xf32, #tpu.memory_space<hbm>>) target(%dma_start3A_464 : memref<16xf32, #tpu.memory_space<vmem>>) offsets(%mul3A_462 : vector<16xi32>) semaphore(%arg11 : memref<!tpu.dma_semaphore, #tpu.memory_space<semaphore_mem>>)
    %add3A_467 = arith.constant 256 : i32
    %add3A_468 = arith.addi %mul3A_290, %add3A_467 : i32
    %add3A_469 = vector.broadcast %add3A_468 : i32 to vector<16xi32>
    %add3A_470 = arith.addi %add3A_469, %iota3A : vector<16xi32>
    %mul3A_471 = arith.constant 153 : i32
    %mul3A_472 = vector.broadcast %mul3A_471 : i32 to vector<16xi32>
    %mul3A_473 = arith.muli %add3A_470, %mul3A_472 : vector<16xi32>
    %dma_start3A_474 = arith.constant 256 : i32
    %dma_start3A_475 = tpu.memref_slice %arg10[%dma_start3A_474] : memref<400xf32, #tpu.memory_space<vmem>> -> memref<16xf32, #tpu.memory_space<vmem>>
    %dma_start3A_476 = arith.constant 0 : i32
    %dma_start3A_477 = tpu.memref_slice %arg2[%dma_start3A_476] : memref<1958400xf32, #tpu.memory_space<hbm>> -> memref<1958400xf32, #tpu.memory_space<hbm>>
    tpu.enqueue_indirect_dma source(%dma_start3A_477 : memref<1958400xf32, #tpu.memory_space<hbm>>) target(%dma_start3A_475 : memref<16xf32, #tpu.memory_space<vmem>>) offsets(%mul3A_473 : vector<16xi32>) semaphore(%arg11 : memref<!tpu.dma_semaphore, #tpu.memory_space<semaphore_mem>>)
    %add3A_478 = arith.constant 272 : i32
    %add3A_479 = arith.addi %mul3A_290, %add3A_478 : i32
    %add3A_480 = vector.broadcast %add3A_479 : i32 to vector<16xi32>
    %add3A_481 = arith.addi %add3A_480, %iota3A : vector<16xi32>
    %mul3A_482 = arith.constant 153 : i32
    %mul3A_483 = vector.broadcast %mul3A_482 : i32 to vector<16xi32>
    %mul3A_484 = arith.muli %add3A_481, %mul3A_483 : vector<16xi32>
    %dma_start3A_485 = arith.constant 272 : i32
    %dma_start3A_486 = tpu.memref_slice %arg10[%dma_start3A_485] : memref<400xf32, #tpu.memory_space<vmem>> -> memref<16xf32, #tpu.memory_space<vmem>>
    %dma_start3A_487 = arith.constant 0 : i32
    %dma_start3A_488 = tpu.memref_slice %arg2[%dma_start3A_487] : memref<1958400xf32, #tpu.memory_space<hbm>> -> memref<1958400xf32, #tpu.memory_space<hbm>>
    tpu.enqueue_indirect_dma source(%dma_start3A_488 : memref<1958400xf32, #tpu.memory_space<hbm>>) target(%dma_start3A_486 : memref<16xf32, #tpu.memory_space<vmem>>) offsets(%mul3A_484 : vector<16xi32>) semaphore(%arg11 : memref<!tpu.dma_semaphore, #tpu.memory_space<semaphore_mem>>)
    %add3A_489 = arith.constant 288 : i32
    %add3A_490 = arith.addi %mul3A_290, %add3A_489 : i32
    %add3A_491 = vector.broadcast %add3A_490 : i32 to vector<16xi32>
    %add3A_492 = arith.addi %add3A_491, %iota3A : vector<16xi32>
    %mul3A_493 = arith.constant 153 : i32
    %mul3A_494 = vector.broadcast %mul3A_493 : i32 to vector<16xi32>
    %mul3A_495 = arith.muli %add3A_492, %mul3A_494 : vector<16xi32>
    %dma_start3A_496 = arith.constant 288 : i32
    %dma_start3A_497 = tpu.memref_slice %arg10[%dma_start3A_496] : memref<400xf32, #tpu.memory_space<vmem>> -> memref<16xf32, #tpu.memory_space<vmem>>
    %dma_start3A_498 = arith.constant 0 : i32
    %dma_start3A_499 = tpu.memref_slice %arg2[%dma_start3A_498] : memref<1958400xf32, #tpu.memory_space<hbm>> -> memref<1958400xf32, #tpu.memory_space<hbm>>
    tpu.enqueue_indirect_dma source(%dma_start3A_499 : memref<1958400xf32, #tpu.memory_space<hbm>>) target(%dma_start3A_497 : memref<16xf32, #tpu.memory_space<vmem>>) offsets(%mul3A_495 : vector<16xi32>) semaphore(%arg11 : memref<!tpu.dma_semaphore, #tpu.memory_space<semaphore_mem>>)
    %add3A_500 = arith.constant 304 : i32
    %add3A_501 = arith.addi %mul3A_290, %add3A_500 : i32
    %add3A_502 = vector.broadcast %add3A_501 : i32 to vector<16xi32>
    %add3A_503 = arith.addi %add3A_502, %iota3A : vector<16xi32>
    %mul3A_504 = arith.constant 153 : i32
    %mul3A_505 = vector.broadcast %mul3A_504 : i32 to vector<16xi32>
    %mul3A_506 = arith.muli %add3A_503, %mul3A_505 : vector<16xi32>
    %dma_start3A_507 = arith.constant 304 : i32
    %dma_start3A_508 = tpu.memref_slice %arg10[%dma_start3A_507] : memref<400xf32, #tpu.memory_space<vmem>> -> memref<16xf32, #tpu.memory_space<vmem>>
    %dma_start3A_509 = arith.constant 0 : i32
    %dma_start3A_510 = tpu.memref_slice %arg2[%dma_start3A_509] : memref<1958400xf32, #tpu.memory_space<hbm>> -> memref<1958400xf32, #tpu.memory_space<hbm>>
    tpu.enqueue_indirect_dma source(%dma_start3A_510 : memref<1958400xf32, #tpu.memory_space<hbm>>) target(%dma_start3A_508 : memref<16xf32, #tpu.memory_space<vmem>>) offsets(%mul3A_506 : vector<16xi32>) semaphore(%arg11 : memref<!tpu.dma_semaphore, #tpu.memory_space<semaphore_mem>>)
    %add3A_511 = arith.constant 320 : i32
    %add3A_512 = arith.addi %mul3A_290, %add3A_511 : i32
    %add3A_513 = vector.broadcast %add3A_512 : i32 to vector<16xi32>
    %add3A_514 = arith.addi %add3A_513, %iota3A : vector<16xi32>
    %mul3A_515 = arith.constant 153 : i32
    %mul3A_516 = vector.broadcast %mul3A_515 : i32 to vector<16xi32>
    %mul3A_517 = arith.muli %add3A_514, %mul3A_516 : vector<16xi32>
    %dma_start3A_518 = arith.constant 320 : i32
    %dma_start3A_519 = tpu.memref_slice %arg10[%dma_start3A_518] : memref<400xf32, #tpu.memory_space<vmem>> -> memref<16xf32, #tpu.memory_space<vmem>>
    %dma_start3A_520 = arith.constant 0 : i32
    %dma_start3A_521 = tpu.memref_slice %arg2[%dma_start3A_520] : memref<1958400xf32, #tpu.memory_space<hbm>> -> memref<1958400xf32, #tpu.memory_space<hbm>>
    tpu.enqueue_indirect_dma source(%dma_start3A_521 : memref<1958400xf32, #tpu.memory_space<hbm>>) target(%dma_start3A_519 : memref<16xf32, #tpu.memory_space<vmem>>) offsets(%mul3A_517 : vector<16xi32>) semaphore(%arg11 : memref<!tpu.dma_semaphore, #tpu.memory_space<semaphore_mem>>)
    %add3A_522 = arith.constant 336 : i32
    %add3A_523 = arith.addi %mul3A_290, %add3A_522 : i32
    %add3A_524 = vector.broadcast %add3A_523 : i32 to vector<16xi32>
    %add3A_525 = arith.addi %add3A_524, %iota3A : vector<16xi32>
    %mul3A_526 = arith.constant 153 : i32
    %mul3A_527 = vector.broadcast %mul3A_526 : i32 to vector<16xi32>
    %mul3A_528 = arith.muli %add3A_525, %mul3A_527 : vector<16xi32>
    %dma_start3A_529 = arith.constant 336 : i32
    %dma_start3A_530 = tpu.memref_slice %arg10[%dma_start3A_529] : memref<400xf32, #tpu.memory_space<vmem>> -> memref<16xf32, #tpu.memory_space<vmem>>
    %dma_start3A_531 = arith.constant 0 : i32
    %dma_start3A_532 = tpu.memref_slice %arg2[%dma_start3A_531] : memref<1958400xf32, #tpu.memory_space<hbm>> -> memref<1958400xf32, #tpu.memory_space<hbm>>
    tpu.enqueue_indirect_dma source(%dma_start3A_532 : memref<1958400xf32, #tpu.memory_space<hbm>>) target(%dma_start3A_530 : memref<16xf32, #tpu.memory_space<vmem>>) offsets(%mul3A_528 : vector<16xi32>) semaphore(%arg11 : memref<!tpu.dma_semaphore, #tpu.memory_space<semaphore_mem>>)
    %add3A_533 = arith.constant 352 : i32
    %add3A_534 = arith.addi %mul3A_290, %add3A_533 : i32
    %add3A_535 = vector.broadcast %add3A_534 : i32 to vector<16xi32>
    %add3A_536 = arith.addi %add3A_535, %iota3A : vector<16xi32>
    %mul3A_537 = arith.constant 153 : i32
    %mul3A_538 = vector.broadcast %mul3A_537 : i32 to vector<16xi32>
    %mul3A_539 = arith.muli %add3A_536, %mul3A_538 : vector<16xi32>
    %dma_start3A_540 = arith.constant 352 : i32
    %dma_start3A_541 = tpu.memref_slice %arg10[%dma_start3A_540] : memref<400xf32, #tpu.memory_space<vmem>> -> memref<16xf32, #tpu.memory_space<vmem>>
    %dma_start3A_542 = arith.constant 0 : i32
    %dma_start3A_543 = tpu.memref_slice %arg2[%dma_start3A_542] : memref<1958400xf32, #tpu.memory_space<hbm>> -> memref<1958400xf32, #tpu.memory_space<hbm>>
    tpu.enqueue_indirect_dma source(%dma_start3A_543 : memref<1958400xf32, #tpu.memory_space<hbm>>) target(%dma_start3A_541 : memref<16xf32, #tpu.memory_space<vmem>>) offsets(%mul3A_539 : vector<16xi32>) semaphore(%arg11 : memref<!tpu.dma_semaphore, #tpu.memory_space<semaphore_mem>>)
    %add3A_544 = arith.constant 368 : i32
    %add3A_545 = arith.addi %mul3A_290, %add3A_544 : i32
    %add3A_546 = vector.broadcast %add3A_545 : i32 to vector<16xi32>
    %add3A_547 = arith.addi %add3A_546, %iota3A : vector<16xi32>
    %mul3A_548 = arith.constant 153 : i32
    %mul3A_549 = vector.broadcast %mul3A_548 : i32 to vector<16xi32>
    %mul3A_550 = arith.muli %add3A_547, %mul3A_549 : vector<16xi32>
    %dma_start3A_551 = arith.constant 368 : i32
    %dma_start3A_552 = tpu.memref_slice %arg10[%dma_start3A_551] : memref<400xf32, #tpu.memory_space<vmem>> -> memref<16xf32, #tpu.memory_space<vmem>>
    %dma_start3A_553 = arith.constant 0 : i32
    %dma_start3A_554 = tpu.memref_slice %arg2[%dma_start3A_553] : memref<1958400xf32, #tpu.memory_space<hbm>> -> memref<1958400xf32, #tpu.memory_space<hbm>>
    tpu.enqueue_indirect_dma source(%dma_start3A_554 : memref<1958400xf32, #tpu.memory_space<hbm>>) target(%dma_start3A_552 : memref<16xf32, #tpu.memory_space<vmem>>) offsets(%mul3A_550 : vector<16xi32>) semaphore(%arg11 : memref<!tpu.dma_semaphore, #tpu.memory_space<semaphore_mem>>)
    %add3A_555 = arith.constant 384 : i32
    %add3A_556 = arith.addi %mul3A_290, %add3A_555 : i32
    %add3A_557 = vector.broadcast %add3A_556 : i32 to vector<16xi32>
    %add3A_558 = arith.addi %add3A_557, %iota3A : vector<16xi32>
    %mul3A_559 = arith.constant 153 : i32
    %mul3A_560 = vector.broadcast %mul3A_559 : i32 to vector<16xi32>
    %mul3A_561 = arith.muli %add3A_558, %mul3A_560 : vector<16xi32>
    %dma_start3A_562 = arith.constant 384 : i32
    %dma_start3A_563 = tpu.memref_slice %arg10[%dma_start3A_562] : memref<400xf32, #tpu.memory_space<vmem>> -> memref<16xf32, #tpu.memory_space<vmem>>
    %dma_start3A_564 = arith.constant 0 : i32
    %dma_start3A_565 = tpu.memref_slice %arg2[%dma_start3A_564] : memref<1958400xf32, #tpu.memory_space<hbm>> -> memref<1958400xf32, #tpu.memory_space<hbm>>
    tpu.enqueue_indirect_dma source(%dma_start3A_565 : memref<1958400xf32, #tpu.memory_space<hbm>>) target(%dma_start3A_563 : memref<16xf32, #tpu.memory_space<vmem>>) offsets(%mul3A_561 : vector<16xi32>) semaphore(%arg11 : memref<!tpu.dma_semaphore, #tpu.memory_space<semaphore_mem>>)
    %dma_wait3A = arith.constant 0 : i32
    %dma_wait3A_566 = tpu.memref_slice %arg9[%dma_wait3A] : memref<160xf32, #tpu.memory_space<vmem>> -> memref<16xf32, #tpu.memory_space<vmem>>
    %dma_wait3A_567 = arith.constant 0 : i32
    %dma_wait3A_568 = tpu.memref_slice %arg2[%dma_wait3A_567] : memref<1958400xf32, #tpu.memory_space<hbm>> -> memref<1958400xf32, #tpu.memory_space<hbm>>
    tpu.wait_indirect_dma semaphore(%arg11 : memref<!tpu.dma_semaphore, #tpu.memory_space<semaphore_mem>>) src(%dma_wait3A_568 : memref<1958400xf32, #tpu.memory_space<hbm>>) dst(%dma_wait3A_566 : memref<16xf32, #tpu.memory_space<vmem>>)
    %dma_wait3A_569 = arith.constant 16 : i32
    %dma_wait3A_570 = tpu.memref_slice %arg9[%dma_wait3A_569] : memref<160xf32, #tpu.memory_space<vmem>> -> memref<16xf32, #tpu.memory_space<vmem>>
    %dma_wait3A_571 = arith.constant 0 : i32
    %dma_wait3A_572 = tpu.memref_slice %arg2[%dma_wait3A_571] : memref<1958400xf32, #tpu.memory_space<hbm>> -> memref<1958400xf32, #tpu.memory_space<hbm>>
    tpu.wait_indirect_dma semaphore(%arg11 : memref<!tpu.dma_semaphore, #tpu.memory_space<semaphore_mem>>) src(%dma_wait3A_572 : memref<1958400xf32, #tpu.memory_space<hbm>>) dst(%dma_wait3A_570 : memref<16xf32, #tpu.memory_space<vmem>>)
    %dma_wait3A_573 = arith.constant 32 : i32
    %dma_wait3A_574 = tpu.memref_slice %arg9[%dma_wait3A_573] : memref<160xf32, #tpu.memory_space<vmem>> -> memref<16xf32, #tpu.memory_space<vmem>>
    %dma_wait3A_575 = arith.constant 0 : i32
    %dma_wait3A_576 = tpu.memref_slice %arg2[%dma_wait3A_575] : memref<1958400xf32, #tpu.memory_space<hbm>> -> memref<1958400xf32, #tpu.memory_space<hbm>>
    tpu.wait_indirect_dma semaphore(%arg11 : memref<!tpu.dma_semaphore, #tpu.memory_space<semaphore_mem>>) src(%dma_wait3A_576 : memref<1958400xf32, #tpu.memory_space<hbm>>) dst(%dma_wait3A_574 : memref<16xf32, #tpu.memory_space<vmem>>)
    %dma_wait3A_577 = arith.constant 48 : i32
    %dma_wait3A_578 = tpu.memref_slice %arg9[%dma_wait3A_577] : memref<160xf32, #tpu.memory_space<vmem>> -> memref<16xf32, #tpu.memory_space<vmem>>
    %dma_wait3A_579 = arith.constant 0 : i32
    %dma_wait3A_580 = tpu.memref_slice %arg2[%dma_wait3A_579] : memref<1958400xf32, #tpu.memory_space<hbm>> -> memref<1958400xf32, #tpu.memory_space<hbm>>
    tpu.wait_indirect_dma semaphore(%arg11 : memref<!tpu.dma_semaphore, #tpu.memory_space<semaphore_mem>>) src(%dma_wait3A_580 : memref<1958400xf32, #tpu.memory_space<hbm>>) dst(%dma_wait3A_578 : memref<16xf32, #tpu.memory_space<vmem>>)
    %dma_wait3A_581 = arith.constant 64 : i32
    %dma_wait3A_582 = tpu.memref_slice %arg9[%dma_wait3A_581] : memref<160xf32, #tpu.memory_space<vmem>> -> memref<16xf32, #tpu.memory_space<vmem>>
    %dma_wait3A_583 = arith.constant 0 : i32
    %dma_wait3A_584 = tpu.memref_slice %arg2[%dma_wait3A_583] : memref<1958400xf32, #tpu.memory_space<hbm>> -> memref<1958400xf32, #tpu.memory_space<hbm>>
    tpu.wait_indirect_dma semaphore(%arg11 : memref<!tpu.dma_semaphore, #tpu.memory_space<semaphore_mem>>) src(%dma_wait3A_584 : memref<1958400xf32, #tpu.memory_space<hbm>>) dst(%dma_wait3A_582 : memref<16xf32, #tpu.memory_space<vmem>>)
    %dma_wait3A_585 = arith.constant 80 : i32
    %dma_wait3A_586 = tpu.memref_slice %arg9[%dma_wait3A_585] : memref<160xf32, #tpu.memory_space<vmem>> -> memref<16xf32, #tpu.memory_space<vmem>>
    %dma_wait3A_587 = arith.constant 0 : i32
    %dma_wait3A_588 = tpu.memref_slice %arg2[%dma_wait3A_587] : memref<1958400xf32, #tpu.memory_space<hbm>> -> memref<1958400xf32, #tpu.memory_space<hbm>>
    tpu.wait_indirect_dma semaphore(%arg11 : memref<!tpu.dma_semaphore, #tpu.memory_space<semaphore_mem>>) src(%dma_wait3A_588 : memref<1958400xf32, #tpu.memory_space<hbm>>) dst(%dma_wait3A_586 : memref<16xf32, #tpu.memory_space<vmem>>)
    %dma_wait3A_589 = arith.constant 96 : i32
    %dma_wait3A_590 = tpu.memref_slice %arg9[%dma_wait3A_589] : memref<160xf32, #tpu.memory_space<vmem>> -> memref<16xf32, #tpu.memory_space<vmem>>
    %dma_wait3A_591 = arith.constant 0 : i32
    %dma_wait3A_592 = tpu.memref_slice %arg2[%dma_wait3A_591] : memref<1958400xf32, #tpu.memory_space<hbm>> -> memref<1958400xf32, #tpu.memory_space<hbm>>
    tpu.wait_indirect_dma semaphore(%arg11 : memref<!tpu.dma_semaphore, #tpu.memory_space<semaphore_mem>>) src(%dma_wait3A_592 : memref<1958400xf32, #tpu.memory_space<hbm>>) dst(%dma_wait3A_590 : memref<16xf32, #tpu.memory_space<vmem>>)
    %dma_wait3A_593 = arith.constant 112 : i32
    %dma_wait3A_594 = tpu.memref_slice %arg9[%dma_wait3A_593] : memref<160xf32, #tpu.memory_space<vmem>> -> memref<16xf32, #tpu.memory_space<vmem>>
    %dma_wait3A_595 = arith.constant 0 : i32
    %dma_wait3A_596 = tpu.memref_slice %arg2[%dma_wait3A_595] : memref<1958400xf32, #tpu.memory_space<hbm>> -> memref<1958400xf32, #tpu.memory_space<hbm>>
    tpu.wait_indirect_dma semaphore(%arg11 : memref<!tpu.dma_semaphore, #tpu.memory_space<semaphore_mem>>) src(%dma_wait3A_596 : memref<1958400xf32, #tpu.memory_space<hbm>>) dst(%dma_wait3A_594 : memref<16xf32, #tpu.memory_space<vmem>>)
    %dma_wait3A_597 = arith.constant 128 : i32
    %dma_wait3A_598 = tpu.memref_slice %arg9[%dma_wait3A_597] : memref<160xf32, #tpu.memory_space<vmem>> -> memref<16xf32, #tpu.memory_space<vmem>>
    %dma_wait3A_599 = arith.constant 0 : i32
    %dma_wait3A_600 = tpu.memref_slice %arg2[%dma_wait3A_599] : memref<1958400xf32, #tpu.memory_space<hbm>> -> memref<1958400xf32, #tpu.memory_space<hbm>>
    tpu.wait_indirect_dma semaphore(%arg11 : memref<!tpu.dma_semaphore, #tpu.memory_space<semaphore_mem>>) src(%dma_wait3A_600 : memref<1958400xf32, #tpu.memory_space<hbm>>) dst(%dma_wait3A_598 : memref<16xf32, #tpu.memory_space<vmem>>)
    %dma_wait3A_601 = arith.constant 144 : i32
    %dma_wait3A_602 = tpu.memref_slice %arg9[%dma_wait3A_601] : memref<160xf32, #tpu.memory_space<vmem>> -> memref<16xf32, #tpu.memory_space<vmem>>
    %dma_wait3A_603 = arith.constant 0 : i32
    %dma_wait3A_604 = tpu.memref_slice %arg2[%dma_wait3A_603] : memref<1958400xf32, #tpu.memory_space<hbm>> -> memref<1958400xf32, #tpu.memory_space<hbm>>
    tpu.wait_indirect_dma semaphore(%arg11 : memref<!tpu.dma_semaphore, #tpu.memory_space<semaphore_mem>>) src(%dma_wait3A_604 : memref<1958400xf32, #tpu.memory_space<hbm>>) dst(%dma_wait3A_602 : memref<16xf32, #tpu.memory_space<vmem>>)
    %dma_wait3A_605 = arith.constant 0 : i32
    %dma_wait3A_606 = tpu.memref_slice %arg10[%dma_wait3A_605] : memref<400xf32, #tpu.memory_space<vmem>> -> memref<16xf32, #tpu.memory_space<vmem>>
    %dma_wait3A_607 = arith.constant 0 : i32
    %dma_wait3A_608 = tpu.memref_slice %arg2[%dma_wait3A_607] : memref<1958400xf32, #tpu.memory_space<hbm>> -> memref<1958400xf32, #tpu.memory_space<hbm>>
    tpu.wait_indirect_dma semaphore(%arg11 : memref<!tpu.dma_semaphore, #tpu.memory_space<semaphore_mem>>) src(%dma_wait3A_608 : memref<1958400xf32, #tpu.memory_space<hbm>>) dst(%dma_wait3A_606 : memref<16xf32, #tpu.memory_space<vmem>>)
    %dma_wait3A_609 = arith.constant 16 : i32
    %dma_wait3A_610 = tpu.memref_slice %arg10[%dma_wait3A_609] : memref<400xf32, #tpu.memory_space<vmem>> -> memref<16xf32, #tpu.memory_space<vmem>>
    %dma_wait3A_611 = arith.constant 0 : i32
    %dma_wait3A_612 = tpu.memref_slice %arg2[%dma_wait3A_611] : memref<1958400xf32, #tpu.memory_space<hbm>> -> memref<1958400xf32, #tpu.memory_space<hbm>>
    tpu.wait_indirect_dma semaphore(%arg11 : memref<!tpu.dma_semaphore, #tpu.memory_space<semaphore_mem>>) src(%dma_wait3A_612 : memref<1958400xf32, #tpu.memory_space<hbm>>) dst(%dma_wait3A_610 : memref<16xf32, #tpu.memory_space<vmem>>)
    %dma_wait3A_613 = arith.constant 32 : i32
    %dma_wait3A_614 = tpu.memref_slice %arg10[%dma_wait3A_613] : memref<400xf32, #tpu.memory_space<vmem>> -> memref<16xf32, #tpu.memory_space<vmem>>
    %dma_wait3A_615 = arith.constant 0 : i32
    %dma_wait3A_616 = tpu.memref_slice %arg2[%dma_wait3A_615] : memref<1958400xf32, #tpu.memory_space<hbm>> -> memref<1958400xf32, #tpu.memory_space<hbm>>
    tpu.wait_indirect_dma semaphore(%arg11 : memref<!tpu.dma_semaphore, #tpu.memory_space<semaphore_mem>>) src(%dma_wait3A_616 : memref<1958400xf32, #tpu.memory_space<hbm>>) dst(%dma_wait3A_614 : memref<16xf32, #tpu.memory_space<vmem>>)
    %dma_wait3A_617 = arith.constant 48 : i32
    %dma_wait3A_618 = tpu.memref_slice %arg10[%dma_wait3A_617] : memref<400xf32, #tpu.memory_space<vmem>> -> memref<16xf32, #tpu.memory_space<vmem>>
    %dma_wait3A_619 = arith.constant 0 : i32
    %dma_wait3A_620 = tpu.memref_slice %arg2[%dma_wait3A_619] : memref<1958400xf32, #tpu.memory_space<hbm>> -> memref<1958400xf32, #tpu.memory_space<hbm>>
    tpu.wait_indirect_dma semaphore(%arg11 : memref<!tpu.dma_semaphore, #tpu.memory_space<semaphore_mem>>) src(%dma_wait3A_620 : memref<1958400xf32, #tpu.memory_space<hbm>>) dst(%dma_wait3A_618 : memref<16xf32, #tpu.memory_space<vmem>>)
    %dma_wait3A_621 = arith.constant 64 : i32
    %dma_wait3A_622 = tpu.memref_slice %arg10[%dma_wait3A_621] : memref<400xf32, #tpu.memory_space<vmem>> -> memref<16xf32, #tpu.memory_space<vmem>>
    %dma_wait3A_623 = arith.constant 0 : i32
    %dma_wait3A_624 = tpu.memref_slice %arg2[%dma_wait3A_623] : memref<1958400xf32, #tpu.memory_space<hbm>> -> memref<1958400xf32, #tpu.memory_space<hbm>>
    tpu.wait_indirect_dma semaphore(%arg11 : memref<!tpu.dma_semaphore, #tpu.memory_space<semaphore_mem>>) src(%dma_wait3A_624 : memref<1958400xf32, #tpu.memory_space<hbm>>) dst(%dma_wait3A_622 : memref<16xf32, #tpu.memory_space<vmem>>)
    %dma_wait3A_625 = arith.constant 80 : i32
    %dma_wait3A_626 = tpu.memref_slice %arg10[%dma_wait3A_625] : memref<400xf32, #tpu.memory_space<vmem>> -> memref<16xf32, #tpu.memory_space<vmem>>
    %dma_wait3A_627 = arith.constant 0 : i32
    %dma_wait3A_628 = tpu.memref_slice %arg2[%dma_wait3A_627] : memref<1958400xf32, #tpu.memory_space<hbm>> -> memref<1958400xf32, #tpu.memory_space<hbm>>
    tpu.wait_indirect_dma semaphore(%arg11 : memref<!tpu.dma_semaphore, #tpu.memory_space<semaphore_mem>>) src(%dma_wait3A_628 : memref<1958400xf32, #tpu.memory_space<hbm>>) dst(%dma_wait3A_626 : memref<16xf32, #tpu.memory_space<vmem>>)
    %dma_wait3A_629 = arith.constant 96 : i32
    %dma_wait3A_630 = tpu.memref_slice %arg10[%dma_wait3A_629] : memref<400xf32, #tpu.memory_space<vmem>> -> memref<16xf32, #tpu.memory_space<vmem>>
    %dma_wait3A_631 = arith.constant 0 : i32
    %dma_wait3A_632 = tpu.memref_slice %arg2[%dma_wait3A_631] : memref<1958400xf32, #tpu.memory_space<hbm>> -> memref<1958400xf32, #tpu.memory_space<hbm>>
    tpu.wait_indirect_dma semaphore(%arg11 : memref<!tpu.dma_semaphore, #tpu.memory_space<semaphore_mem>>) src(%dma_wait3A_632 : memref<1958400xf32, #tpu.memory_space<hbm>>) dst(%dma_wait3A_630 : memref<16xf32, #tpu.memory_space<vmem>>)
    %dma_wait3A_633 = arith.constant 112 : i32
    %dma_wait3A_634 = tpu.memref_slice %arg10[%dma_wait3A_633] : memref<400xf32, #tpu.memory_space<vmem>> -> memref<16xf32, #tpu.memory_space<vmem>>
    %dma_wait3A_635 = arith.constant 0 : i32
    %dma_wait3A_636 = tpu.memref_slice %arg2[%dma_wait3A_635] : memref<1958400xf32, #tpu.memory_space<hbm>> -> memref<1958400xf32, #tpu.memory_space<hbm>>
    tpu.wait_indirect_dma semaphore(%arg11 : memref<!tpu.dma_semaphore, #tpu.memory_space<semaphore_mem>>) src(%dma_wait3A_636 : memref<1958400xf32, #tpu.memory_space<hbm>>) dst(%dma_wait3A_634 : memref<16xf32, #tpu.memory_space<vmem>>)
    %dma_wait3A_637 = arith.constant 128 : i32
    %dma_wait3A_638 = tpu.memref_slice %arg10[%dma_wait3A_637] : memref<400xf32, #tpu.memory_space<vmem>> -> memref<16xf32, #tpu.memory_space<vmem>>
    %dma_wait3A_639 = arith.constant 0 : i32
    %dma_wait3A_640 = tpu.memref_slice %arg2[%dma_wait3A_639] : memref<1958400xf32, #tpu.memory_space<hbm>> -> memref<1958400xf32, #tpu.memory_space<hbm>>
    tpu.wait_indirect_dma semaphore(%arg11 : memref<!tpu.dma_semaphore, #tpu.memory_space<semaphore_mem>>) src(%dma_wait3A_640 : memref<1958400xf32, #tpu.memory_space<hbm>>) dst(%dma_wait3A_638 : memref<16xf32, #tpu.memory_space<vmem>>)
    %dma_wait3A_641 = arith.constant 144 : i32
    %dma_wait3A_642 = tpu.memref_slice %arg10[%dma_wait3A_641] : memref<400xf32, #tpu.memory_space<vmem>> -> memref<16xf32, #tpu.memory_space<vmem>>
    %dma_wait3A_643 = arith.constant 0 : i32
    %dma_wait3A_644 = tpu.memref_slice %arg2[%dma_wait3A_643] : memref<1958400xf32, #tpu.memory_space<hbm>> -> memref<1958400xf32, #tpu.memory_space<hbm>>
    tpu.wait_indirect_dma semaphore(%arg11 : memref<!tpu.dma_semaphore, #tpu.memory_space<semaphore_mem>>) src(%dma_wait3A_644 : memref<1958400xf32, #tpu.memory_space<hbm>>) dst(%dma_wait3A_642 : memref<16xf32, #tpu.memory_space<vmem>>)
    %dma_wait3A_645 = arith.constant 160 : i32
    %dma_wait3A_646 = tpu.memref_slice %arg10[%dma_wait3A_645] : memref<400xf32, #tpu.memory_space<vmem>> -> memref<16xf32, #tpu.memory_space<vmem>>
    %dma_wait3A_647 = arith.constant 0 : i32
    %dma_wait3A_648 = tpu.memref_slice %arg2[%dma_wait3A_647] : memref<1958400xf32, #tpu.memory_space<hbm>> -> memref<1958400xf32, #tpu.memory_space<hbm>>
    tpu.wait_indirect_dma semaphore(%arg11 : memref<!tpu.dma_semaphore, #tpu.memory_space<semaphore_mem>>) src(%dma_wait3A_648 : memref<1958400xf32, #tpu.memory_space<hbm>>) dst(%dma_wait3A_646 : memref<16xf32, #tpu.memory_space<vmem>>)
    %dma_wait3A_649 = arith.constant 176 : i32
    %dma_wait3A_650 = tpu.memref_slice %arg10[%dma_wait3A_649] : memref<400xf32, #tpu.memory_space<vmem>> -> memref<16xf32, #tpu.memory_space<vmem>>
    %dma_wait3A_651 = arith.constant 0 : i32
    %dma_wait3A_652 = tpu.memref_slice %arg2[%dma_wait3A_651] : memref<1958400xf32, #tpu.memory_space<hbm>> -> memref<1958400xf32, #tpu.memory_space<hbm>>
    tpu.wait_indirect_dma semaphore(%arg11 : memref<!tpu.dma_semaphore, #tpu.memory_space<semaphore_mem>>) src(%dma_wait3A_652 : memref<1958400xf32, #tpu.memory_space<hbm>>) dst(%dma_wait3A_650 : memref<16xf32, #tpu.memory_space<vmem>>)
    %dma_wait3A_653 = arith.constant 192 : i32
    %dma_wait3A_654 = tpu.memref_slice %arg10[%dma_wait3A_653] : memref<400xf32, #tpu.memory_space<vmem>> -> memref<16xf32, #tpu.memory_space<vmem>>
    %dma_wait3A_655 = arith.constant 0 : i32
    %dma_wait3A_656 = tpu.memref_slice %arg2[%dma_wait3A_655] : memref<1958400xf32, #tpu.memory_space<hbm>> -> memref<1958400xf32, #tpu.memory_space<hbm>>
    tpu.wait_indirect_dma semaphore(%arg11 : memref<!tpu.dma_semaphore, #tpu.memory_space<semaphore_mem>>) src(%dma_wait3A_656 : memref<1958400xf32, #tpu.memory_space<hbm>>) dst(%dma_wait3A_654 : memref<16xf32, #tpu.memory_space<vmem>>)
    %dma_wait3A_657 = arith.constant 208 : i32
    %dma_wait3A_658 = tpu.memref_slice %arg10[%dma_wait3A_657] : memref<400xf32, #tpu.memory_space<vmem>> -> memref<16xf32, #tpu.memory_space<vmem>>
    %dma_wait3A_659 = arith.constant 0 : i32
    %dma_wait3A_660 = tpu.memref_slice %arg2[%dma_wait3A_659] : memref<1958400xf32, #tpu.memory_space<hbm>> -> memref<1958400xf32, #tpu.memory_space<hbm>>
    tpu.wait_indirect_dma semaphore(%arg11 : memref<!tpu.dma_semaphore, #tpu.memory_space<semaphore_mem>>) src(%dma_wait3A_660 : memref<1958400xf32, #tpu.memory_space<hbm>>) dst(%dma_wait3A_658 : memref<16xf32, #tpu.memory_space<vmem>>)
    %dma_wait3A_661 = arith.constant 224 : i32
    %dma_wait3A_662 = tpu.memref_slice %arg10[%dma_wait3A_661] : memref<400xf32, #tpu.memory_space<vmem>> -> memref<16xf32, #tpu.memory_space<vmem>>
    %dma_wait3A_663 = arith.constant 0 : i32
    %dma_wait3A_664 = tpu.memref_slice %arg2[%dma_wait3A_663] : memref<1958400xf32, #tpu.memory_space<hbm>> -> memref<1958400xf32, #tpu.memory_space<hbm>>
    tpu.wait_indirect_dma semaphore(%arg11 : memref<!tpu.dma_semaphore, #tpu.memory_space<semaphore_mem>>) src(%dma_wait3A_664 : memref<1958400xf32, #tpu.memory_space<hbm>>) dst(%dma_wait3A_662 : memref<16xf32, #tpu.memory_space<vmem>>)
    %dma_wait3A_665 = arith.constant 240 : i32
    %dma_wait3A_666 = tpu.memref_slice %arg10[%dma_wait3A_665] : memref<400xf32, #tpu.memory_space<vmem>> -> memref<16xf32, #tpu.memory_space<vmem>>
    %dma_wait3A_667 = arith.constant 0 : i32
    %dma_wait3A_668 = tpu.memref_slice %arg2[%dma_wait3A_667] : memref<1958400xf32, #tpu.memory_space<hbm>> -> memref<1958400xf32, #tpu.memory_space<hbm>>
    tpu.wait_indirect_dma semaphore(%arg11 : memref<!tpu.dma_semaphore, #tpu.memory_space<semaphore_mem>>) src(%dma_wait3A_668 : memref<1958400xf32, #tpu.memory_space<hbm>>) dst(%dma_wait3A_666 : memref<16xf32, #tpu.memory_space<vmem>>)
    %dma_wait3A_669 = arith.constant 256 : i32
    %dma_wait3A_670 = tpu.memref_slice %arg10[%dma_wait3A_669] : memref<400xf32, #tpu.memory_space<vmem>> -> memref<16xf32, #tpu.memory_space<vmem>>
    %dma_wait3A_671 = arith.constant 0 : i32
    %dma_wait3A_672 = tpu.memref_slice %arg2[%dma_wait3A_671] : memref<1958400xf32, #tpu.memory_space<hbm>> -> memref<1958400xf32, #tpu.memory_space<hbm>>
    tpu.wait_indirect_dma semaphore(%arg11 : memref<!tpu.dma_semaphore, #tpu.memory_space<semaphore_mem>>) src(%dma_wait3A_672 : memref<1958400xf32, #tpu.memory_space<hbm>>) dst(%dma_wait3A_670 : memref<16xf32, #tpu.memory_space<vmem>>)
    %dma_wait3A_673 = arith.constant 272 : i32
    %dma_wait3A_674 = tpu.memref_slice %arg10[%dma_wait3A_673] : memref<400xf32, #tpu.memory_space<vmem>> -> memref<16xf32, #tpu.memory_space<vmem>>
    %dma_wait3A_675 = arith.constant 0 : i32
    %dma_wait3A_676 = tpu.memref_slice %arg2[%dma_wait3A_675] : memref<1958400xf32, #tpu.memory_space<hbm>> -> memref<1958400xf32, #tpu.memory_space<hbm>>
    tpu.wait_indirect_dma semaphore(%arg11 : memref<!tpu.dma_semaphore, #tpu.memory_space<semaphore_mem>>) src(%dma_wait3A_676 : memref<1958400xf32, #tpu.memory_space<hbm>>) dst(%dma_wait3A_674 : memref<16xf32, #tpu.memory_space<vmem>>)
    %dma_wait3A_677 = arith.constant 288 : i32
    %dma_wait3A_678 = tpu.memref_slice %arg10[%dma_wait3A_677] : memref<400xf32, #tpu.memory_space<vmem>> -> memref<16xf32, #tpu.memory_space<vmem>>
    %dma_wait3A_679 = arith.constant 0 : i32
    %dma_wait3A_680 = tpu.memref_slice %arg2[%dma_wait3A_679] : memref<1958400xf32, #tpu.memory_space<hbm>> -> memref<1958400xf32, #tpu.memory_space<hbm>>
    tpu.wait_indirect_dma semaphore(%arg11 : memref<!tpu.dma_semaphore, #tpu.memory_space<semaphore_mem>>) src(%dma_wait3A_680 : memref<1958400xf32, #tpu.memory_space<hbm>>) dst(%dma_wait3A_678 : memref<16xf32, #tpu.memory_space<vmem>>)
    %dma_wait3A_681 = arith.constant 304 : i32
    %dma_wait3A_682 = tpu.memref_slice %arg10[%dma_wait3A_681] : memref<400xf32, #tpu.memory_space<vmem>> -> memref<16xf32, #tpu.memory_space<vmem>>
    %dma_wait3A_683 = arith.constant 0 : i32
    %dma_wait3A_684 = tpu.memref_slice %arg2[%dma_wait3A_683] : memref<1958400xf32, #tpu.memory_space<hbm>> -> memref<1958400xf32, #tpu.memory_space<hbm>>
    tpu.wait_indirect_dma semaphore(%arg11 : memref<!tpu.dma_semaphore, #tpu.memory_space<semaphore_mem>>) src(%dma_wait3A_684 : memref<1958400xf32, #tpu.memory_space<hbm>>) dst(%dma_wait3A_682 : memref<16xf32, #tpu.memory_space<vmem>>)
    %dma_wait3A_685 = arith.constant 320 : i32
    %dma_wait3A_686 = tpu.memref_slice %arg10[%dma_wait3A_685] : memref<400xf32, #tpu.memory_space<vmem>> -> memref<16xf32, #tpu.memory_space<vmem>>
    %dma_wait3A_687 = arith.constant 0 : i32
    %dma_wait3A_688 = tpu.memref_slice %arg2[%dma_wait3A_687] : memref<1958400xf32, #tpu.memory_space<hbm>> -> memref<1958400xf32, #tpu.memory_space<hbm>>
    tpu.wait_indirect_dma semaphore(%arg11 : memref<!tpu.dma_semaphore, #tpu.memory_space<semaphore_mem>>) src(%dma_wait3A_688 : memref<1958400xf32, #tpu.memory_space<hbm>>) dst(%dma_wait3A_686 : memref<16xf32, #tpu.memory_space<vmem>>)
    %dma_wait3A_689 = arith.constant 336 : i32
    %dma_wait3A_690 = tpu.memref_slice %arg10[%dma_wait3A_689] : memref<400xf32, #tpu.memory_space<vmem>> -> memref<16xf32, #tpu.memory_space<vmem>>
    %dma_wait3A_691 = arith.constant 0 : i32
    %dma_wait3A_692 = tpu.memref_slice %arg2[%dma_wait3A_691] : memref<1958400xf32, #tpu.memory_space<hbm>> -> memref<1958400xf32, #tpu.memory_space<hbm>>
    tpu.wait_indirect_dma semaphore(%arg11 : memref<!tpu.dma_semaphore, #tpu.memory_space<semaphore_mem>>) src(%dma_wait3A_692 : memref<1958400xf32, #tpu.memory_space<hbm>>) dst(%dma_wait3A_690 : memref<16xf32, #tpu.memory_space<vmem>>)
    %dma_wait3A_693 = arith.constant 352 : i32
    %dma_wait3A_694 = tpu.memref_slice %arg10[%dma_wait3A_693] : memref<400xf32, #tpu.memory_space<vmem>> -> memref<16xf32, #tpu.memory_space<vmem>>
    %dma_wait3A_695 = arith.constant 0 : i32
    %dma_wait3A_696 = tpu.memref_slice %arg2[%dma_wait3A_695] : memref<1958400xf32, #tpu.memory_space<hbm>> -> memref<1958400xf32, #tpu.memory_space<hbm>>
    tpu.wait_indirect_dma semaphore(%arg11 : memref<!tpu.dma_semaphore, #tpu.memory_space<semaphore_mem>>) src(%dma_wait3A_696 : memref<1958400xf32, #tpu.memory_space<hbm>>) dst(%dma_wait3A_694 : memref<16xf32, #tpu.memory_space<vmem>>)
    %dma_wait3A_697 = arith.constant 368 : i32
    %dma_wait3A_698 = tpu.memref_slice %arg10[%dma_wait3A_697] : memref<400xf32, #tpu.memory_space<vmem>> -> memref<16xf32, #tpu.memory_space<vmem>>
    %dma_wait3A_699 = arith.constant 0 : i32
    %dma_wait3A_700 = tpu.memref_slice %arg2[%dma_wait3A_699] : memref<1958400xf32, #tpu.memory_space<hbm>> -> memref<1958400xf32, #tpu.memory_space<hbm>>
    tpu.wait_indirect_dma semaphore(%arg11 : memref<!tpu.dma_semaphore, #tpu.memory_space<semaphore_mem>>) src(%dma_wait3A_700 : memref<1958400xf32, #tpu.memory_space<hbm>>) dst(%dma_wait3A_698 : memref<16xf32, #tpu.memory_space<vmem>>)
    %dma_wait3A_701 = arith.constant 384 : i32
    %dma_wait3A_702 = tpu.memref_slice %arg10[%dma_wait3A_701] : memref<400xf32, #tpu.memory_space<vmem>> -> memref<16xf32, #tpu.memory_space<vmem>>
    %dma_wait3A_703 = arith.constant 0 : i32
    %dma_wait3A_704 = tpu.memref_slice %arg2[%dma_wait3A_703] : memref<1958400xf32, #tpu.memory_space<hbm>> -> memref<1958400xf32, #tpu.memory_space<hbm>>
    tpu.wait_indirect_dma semaphore(%arg11 : memref<!tpu.dma_semaphore, #tpu.memory_space<semaphore_mem>>) src(%dma_wait3A_704 : memref<1958400xf32, #tpu.memory_space<hbm>>) dst(%dma_wait3A_702 : memref<16xf32, #tpu.memory_space<vmem>>)
    %mul3A_705 = arith.constant 16 : i32
    %mul3A_706 = arith.muli %add3A, %mul3A_705 : i32
    %mul3A_707 = arith.constant 10 : i32
    %mul3A_708 = arith.muli %mul3A_706, %mul3A_707 : i32
    "tpu.region"() ({
      %run_scoped3A = tpu.sem_alloc : memref<!tpu.dma_semaphore, #tpu.memory_space<semaphore_mem>>
      %dma_start3A_709 = tpu.memref_slice %arg5[%mul3A_708] : memref<5120xf32, #tpu.memory_space<hbm>> -> memref<160xf32, #tpu.memory_space<hbm>>
      %dma_start3A_710 = tpu.memref_slice %arg5[%mul3A_708] : memref<5120xf32, #tpu.memory_space<hbm>> -> memref<160xf32, #tpu.memory_space<hbm>>
      tpu.enqueue_dma source(%arg9 : memref<160xf32, #tpu.memory_space<vmem>>) target(%dma_start3A_710 : memref<160xf32, #tpu.memory_space<hbm>>) target_semaphore(%run_scoped3A : memref<!tpu.dma_semaphore, #tpu.memory_space<semaphore_mem>>)
      %dma_wait3A_711 = tpu.memref_slice %arg5[%mul3A_708] : memref<5120xf32, #tpu.memory_space<hbm>> -> memref<160xf32, #tpu.memory_space<hbm>>
      %dma_wait3A_712 = tpu.memref_slice %arg5[%mul3A_708] : memref<5120xf32, #tpu.memory_space<hbm>> -> memref<160xf32, #tpu.memory_space<hbm>>
      tpu.wait_dma2 semaphore(%run_scoped3A : memref<!tpu.dma_semaphore, #tpu.memory_space<semaphore_mem>>) src(%arg9 : memref<160xf32, #tpu.memory_space<vmem>>) dst(%dma_wait3A_712 : memref<160xf32, #tpu.memory_space<hbm>>)
      tpu.yield
    }) : () -> ()
    "tpu.region"() ({
      %run_scoped3A = tpu.sem_alloc : memref<!tpu.dma_semaphore, #tpu.memory_space<semaphore_mem>>
      %dma_start3A_709 = tpu.memref_slice %arg6[%mul3A_290] : memref<12800xf32, #tpu.memory_space<hbm>> -> memref<400xf32, #tpu.memory_space<hbm>>
      %dma_start3A_710 = tpu.memref_slice %arg6[%mul3A_290] : memref<12800xf32, #tpu.memory_space<hbm>> -> memref<400xf32, #tpu.memory_space<hbm>>
      tpu.enqueue_dma source(%arg10 : memref<400xf32, #tpu.memory_space<vmem>>) target(%dma_start3A_710 : memref<400xf32, #tpu.memory_space<hbm>>) target_semaphore(%run_scoped3A : memref<!tpu.dma_semaphore, #tpu.memory_space<semaphore_mem>>)
      %dma_wait3A_711 = tpu.memref_slice %arg6[%mul3A_290] : memref<12800xf32, #tpu.memory_space<hbm>> -> memref<400xf32, #tpu.memory_space<hbm>>
      %dma_wait3A_712 = tpu.memref_slice %arg6[%mul3A_290] : memref<12800xf32, #tpu.memory_space<hbm>> -> memref<400xf32, #tpu.memory_space<hbm>>
      tpu.wait_dma2 semaphore(%run_scoped3A : memref<!tpu.dma_semaphore, #tpu.memory_space<semaphore_mem>>) src(%arg10 : memref<400xf32, #tpu.memory_space<vmem>>) dst(%dma_wait3A_712 : memref<400xf32, #tpu.memory_space<hbm>>)
      tpu.yield
    }) : () -> ()
    return
  }
}

module attributes {stable_mosaic.version = 14 : i64} {
  func.func @_loss_kernel(%arg0: memref<32x4xf32, #tpu.memory_space<vmem>>, %arg1: memref<32x4xf32, #tpu.memory_space<vmem>>, %arg2: memref<32x4xi32, #tpu.memory_space<vmem>>, %arg3: memref<1x1xf32, #tpu.memory_space<smem>>, %arg4: memref<32x160xf32, #tpu.memory_space<vmem>>, %arg5: memref<100x128xf32, #tpu.memory_space<vmem>>, %arg6: memref<1x1xf32, #tpu.memory_space<smem>>) attributes {dimension_semantics = [], scalar_prefetch = 0 : i64, scratch_operands = 0 : i64, tpu.core_type = #tpu.core_type<tc>} {
    %get3A = arith.constant 0 : index
    %get3A_0 = arith.constant 0 : index
    %get3A_1 = memref.load %arg3[%get3A, %get3A_0] : memref<1x1xf32, #tpu.memory_space<smem>>
    %div3A = arith.constant 4.000000e+01 : f32
    %div3A_2 = arith.divf %get3A_1, %div3A : f32
    %div3A_3 = arith.constant 4.000000e+01 : f32
    %div3A_4 = arith.divf %get3A_1, %div3A_3 : f32
    %get3A_5 = arith.constant 0 : index
    %get3A_6 = arith.constant 0 : index
    %get3A_7 = vector.load %arg0[%get3A_5, %get3A_6] : memref<32x4xf32, #tpu.memory_space<vmem>>, vector<32x4xf32>
    %get3A_8 = arith.constant 0 : index
    %get3A_9 = arith.constant 0 : index
    %get3A_10 = vector.load %arg1[%get3A_8, %get3A_9] : memref<32x4xf32, #tpu.memory_space<vmem>>, vector<32x4xf32>
    %get3A_11 = arith.constant 0 : index
    %get3A_12 = arith.constant 0 : index
    %get3A_13 = vector.load %arg2[%get3A_11, %get3A_12] : memref<32x4xi32, #tpu.memory_space<vmem>>, vector<32x4xi32>
    %slice3A = vector.extract_strided_slice %get3A_7 {offsets = [0, 0], sizes = [32, 1], strides = [1, 1]} : vector<32x4xf32> to vector<32x1xf32>
    %slice3A_14 = vector.extract_strided_slice %get3A_7 {offsets = [0, 1], sizes = [32, 1], strides = [1, 1]} : vector<32x4xf32> to vector<32x1xf32>
    %slice3A_15 = vector.extract_strided_slice %get3A_7 {offsets = [0, 2], sizes = [32, 1], strides = [1, 1]} : vector<32x4xf32> to vector<32x1xf32>
    %slice3A_16 = vector.extract_strided_slice %get3A_7 {offsets = [0, 3], sizes = [32, 1], strides = [1, 1]} : vector<32x4xf32> to vector<32x1xf32>
    %reduce_max3A = arith.constant dense<0xFF800000> : vector<32xf32>
    %reduce_max3A_17 = vector.multi_reduction <maximumf>, %get3A_7, %reduce_max3A [1] : vector<32x4xf32> to vector<32xf32>
    %broadcast_in_dim3A = vector.shape_cast %reduce_max3A_17 : vector<32xf32> to vector<32x1xf32>
    %le3A = arith.constant 1.500000e+00 : f32
    %le3A_18 = vector.broadcast %le3A : f32 to vector<32x1xf32>
    %le3A_19 = arith.cmpf ole, %broadcast_in_dim3A, %le3A_18 : vector<32x1xf32>
    %mul3A = vector.broadcast %get3A_1 : f32 to vector<32x1xf32>
    %mul3A_20 = arith.mulf %slice3A, %mul3A : vector<32x1xf32>
    %select_n3A = arith.select %le3A_19, %mul3A_20, %slice3A : vector<32x1xi1>, vector<32x1xf32>
    %mul3A_21 = vector.broadcast %get3A_1 : f32 to vector<32x1xf32>
    %mul3A_22 = arith.mulf %slice3A_14, %mul3A_21 : vector<32x1xf32>
    %select_n3A_23 = arith.select %le3A_19, %mul3A_22, %slice3A_14 : vector<32x1xi1>, vector<32x1xf32>
    %mul3A_24 = vector.broadcast %get3A_1 : f32 to vector<32x1xf32>
    %mul3A_25 = arith.mulf %slice3A_15, %mul3A_24 : vector<32x1xf32>
    %select_n3A_26 = arith.select %le3A_19, %mul3A_25, %slice3A_15 : vector<32x1xi1>, vector<32x1xf32>
    %mul3A_27 = vector.broadcast %get3A_1 : f32 to vector<32x1xf32>
    %mul3A_28 = arith.mulf %slice3A_16, %mul3A_27 : vector<32x1xf32>
    %select_n3A_29 = arith.select %le3A_19, %mul3A_28, %slice3A_16 : vector<32x1xi1>, vector<32x1xf32>
    %sub3A = arith.subf %select_n3A_26, %select_n3A : vector<32x1xf32>
    %sub3A_30 = arith.subf %select_n3A_29, %select_n3A_23 : vector<32x1xf32>
    %gt3A = arith.constant 0.000000e+00 : f32
    %gt3A_31 = vector.broadcast %gt3A : f32 to vector<32x1xf32>
    %gt3A_32 = arith.cmpf ogt, %sub3A, %gt3A_31 : vector<32x1xf32>
    %gt3A_33 = arith.constant 0.000000e+00 : f32
    %gt3A_34 = vector.broadcast %gt3A_33 : f32 to vector<32x1xf32>
    %gt3A_35 = arith.cmpf ogt, %sub3A_30, %gt3A_34 : vector<32x1xf32>
    %and3A = arith.andi %gt3A_32, %gt3A_35 : vector<32x1xi1>
    %add3A = arith.addf %select_n3A, %select_n3A_26 : vector<32x1xf32>
    %mul3A_36 = arith.constant 5.000000e-01 : f32
    %mul3A_37 = vector.broadcast %mul3A_36 : f32 to vector<32x1xf32>
    %mul3A_38 = arith.mulf %add3A, %mul3A_37 : vector<32x1xf32>
    %add3A_39 = arith.addf %select_n3A_23, %select_n3A_29 : vector<32x1xf32>
    %mul3A_40 = arith.constant 5.000000e-01 : f32
    %mul3A_41 = vector.broadcast %mul3A_40 : f32 to vector<32x1xf32>
    %mul3A_42 = arith.mulf %add3A_39, %mul3A_41 : vector<32x1xf32>
    %div3A_43 = vector.broadcast %div3A_2 : f32 to vector<32x1xf32>
    %div3A_44 = arith.divf %mul3A_38, %div3A_43 : vector<32x1xf32>
    %div3A_45 = vector.broadcast %div3A_4 : f32 to vector<32x1xf32>
    %div3A_46 = arith.divf %mul3A_42, %div3A_45 : vector<32x1xf32>
    %convert_element_type3A = arith.fptosi %div3A_44 : vector<32x1xf32> to vector<32x1xi32>
    %convert_element_type3A_47 = arith.fptosi %div3A_46 : vector<32x1xf32> to vector<32x1xi32>
    %ge3A = arith.constant 0 : i32
    %ge3A_48 = vector.broadcast %ge3A : i32 to vector<32x1xi32>
    %ge3A_49 = arith.cmpi sge, %convert_element_type3A, %ge3A_48 : vector<32x1xi32>
    %ge3A_50 = arith.constant 0 : i32
    %ge3A_51 = vector.broadcast %ge3A_50 : i32 to vector<32x1xi32>
    %ge3A_52 = arith.cmpi sge, %convert_element_type3A_47, %ge3A_51 : vector<32x1xi32>
    %and3A_53 = arith.andi %ge3A_49, %ge3A_52 : vector<32x1xi1>
    %lt3A = arith.constant 40 : i32
    %lt3A_54 = vector.broadcast %lt3A : i32 to vector<32x1xi32>
    %lt3A_55 = arith.cmpi slt, %convert_element_type3A, %lt3A_54 : vector<32x1xi32>
    %and3A_56 = arith.andi %and3A_53, %lt3A_55 : vector<32x1xi1>
    %lt3A_57 = arith.constant 40 : i32
    %lt3A_58 = vector.broadcast %lt3A_57 : i32 to vector<32x1xi32>
    %lt3A_59 = arith.cmpi slt, %convert_element_type3A_47, %lt3A_58 : vector<32x1xi32>
    %and3A_60 = arith.andi %and3A_56, %lt3A_59 : vector<32x1xi1>
    %jit3A = arith.constant 0 : i32
    %jit3A_61 = arith.constant 39 : i32
    %max3A = vector.broadcast %jit3A : i32 to vector<32x1xi32>
    %max3A_62 = arith.maxsi %max3A, %convert_element_type3A : vector<32x1xi32>
    %min3A = vector.broadcast %jit3A_61 : i32 to vector<32x1xi32>
    %min3A_63 = arith.minsi %min3A, %max3A_62 : vector<32x1xi32>
    %jit3A_64 = arith.constant 0 : i32
    %jit3A_65 = arith.constant 39 : i32
    %max3A_66 = vector.broadcast %jit3A_64 : i32 to vector<32x1xi32>
    %max3A_67 = arith.maxsi %max3A_66, %convert_element_type3A_47 : vector<32x1xi32>
    %min3A_68 = vector.broadcast %jit3A_65 : i32 to vector<32x1xi32>
    %min3A_69 = arith.minsi %min3A_68, %max3A_67 : vector<32x1xi32>
    %and3A_70 = arith.andi %and3A, %and3A_60 : vector<32x1xi1>
    %sub3A_71 = arith.subf %slice3A_15, %slice3A : vector<32x1xf32>
    %jit3A_72 = arith.constant 0.000000e+00 : f32
    %max3A_73 = vector.broadcast %jit3A_72 : f32 to vector<32x1xf32>
    %max3A_74 = arith.maximumf %max3A_73, %sub3A_71 : vector<32x1xf32>
    %sub3A_75 = arith.subf %slice3A_16, %slice3A_14 : vector<32x1xf32>
    %jit3A_76 = arith.constant 0.000000e+00 : f32
    %max3A_77 = vector.broadcast %jit3A_76 : f32 to vector<32x1xf32>
    %max3A_78 = arith.maximumf %max3A_77, %sub3A_75 : vector<32x1xf32>
    %mul3A_79 = arith.mulf %max3A_74, %max3A_78 : vector<32x1xf32>
    %convert_element_type3A_80 = arith.sitofp %convert_element_type3A : vector<32x1xi32> to vector<32x1xf32>
    %sub3A_81 = arith.subf %div3A_44, %convert_element_type3A_80 : vector<32x1xf32>
    %convert_element_type3A_82 = arith.sitofp %convert_element_type3A_47 : vector<32x1xi32> to vector<32x1xf32>
    %sub3A_83 = arith.subf %div3A_46, %convert_element_type3A_82 : vector<32x1xf32>
    %gt3A_84 = arith.constant 0.000000e+00 : f32
    %gt3A_85 = vector.broadcast %gt3A_84 : f32 to vector<32x1xf32>
    %gt3A_86 = arith.cmpf ogt, %sub3A, %gt3A_85 : vector<32x1xf32>
    %jit3A_87 = arith.constant 1.000000e+00 : f32
    %broadcast_in_dim3A_88 = vector.broadcast %jit3A_87 : f32 to vector<32x1xf32>
    %select_n3A_89 = arith.select %gt3A_86, %sub3A, %broadcast_in_dim3A_88 : vector<32x1xi1>, vector<32x1xf32>
    %gt3A_90 = arith.constant 0.000000e+00 : f32
    %gt3A_91 = vector.broadcast %gt3A_90 : f32 to vector<32x1xf32>
    %gt3A_92 = arith.cmpf ogt, %sub3A_30, %gt3A_91 : vector<32x1xf32>
    %jit3A_93 = arith.constant 1.000000e+00 : f32
    %broadcast_in_dim3A_94 = vector.broadcast %jit3A_93 : f32 to vector<32x1xf32>
    %select_n3A_95 = arith.select %gt3A_92, %sub3A_30, %broadcast_in_dim3A_94 : vector<32x1xi1>, vector<32x1xf32>
    %div3A_96 = vector.broadcast %div3A_2 : f32 to vector<32x1xf32>
    %div3A_97 = arith.divf %select_n3A_89, %div3A_96 : vector<32x1xf32>
    %add3A_98 = arith.constant 9.99999997E-7 : f32
    %add3A_99 = vector.broadcast %add3A_98 : f32 to vector<32x1xf32>
    %add3A_100 = arith.addf %div3A_97, %add3A_99 : vector<32x1xf32>
    %log3A = math.log %add3A_100 : vector<32x1xf32>
    %div3A_101 = vector.broadcast %div3A_4 : f32 to vector<32x1xf32>
    %div3A_102 = arith.divf %select_n3A_95, %div3A_101 : vector<32x1xf32>
    %add3A_103 = arith.constant 9.99999997E-7 : f32
    %add3A_104 = vector.broadcast %add3A_103 : f32 to vector<32x1xf32>
    %add3A_105 = arith.addf %div3A_102, %add3A_104 : vector<32x1xf32>
    %log3A_106 = math.log %add3A_105 : vector<32x1xf32>
    %slice3A_107 = vector.extract_strided_slice %get3A_10 {offsets = [0, 0], sizes = [32, 1], strides = [1, 1]} : vector<32x4xf32> to vector<32x1xf32>
    %slice3A_108 = vector.extract_strided_slice %get3A_10 {offsets = [0, 1], sizes = [32, 1], strides = [1, 1]} : vector<32x4xf32> to vector<32x1xf32>
    %slice3A_109 = vector.extract_strided_slice %get3A_10 {offsets = [0, 2], sizes = [32, 1], strides = [1, 1]} : vector<32x4xf32> to vector<32x1xf32>
    %slice3A_110 = vector.extract_strided_slice %get3A_10 {offsets = [0, 3], sizes = [32, 1], strides = [1, 1]} : vector<32x4xf32> to vector<32x1xf32>
    %reduce_max3A_111 = arith.constant dense<0xFF800000> : vector<32xf32>
    %reduce_max3A_112 = vector.multi_reduction <maximumf>, %get3A_10, %reduce_max3A_111 [1] : vector<32x4xf32> to vector<32xf32>
    %broadcast_in_dim3A_113 = vector.shape_cast %reduce_max3A_112 : vector<32xf32> to vector<32x1xf32>
    %le3A_114 = arith.constant 1.500000e+00 : f32
    %le3A_115 = vector.broadcast %le3A_114 : f32 to vector<32x1xf32>
    %le3A_116 = arith.cmpf ole, %broadcast_in_dim3A_113, %le3A_115 : vector<32x1xf32>
    %mul3A_117 = vector.broadcast %get3A_1 : f32 to vector<32x1xf32>
    %mul3A_118 = arith.mulf %slice3A_107, %mul3A_117 : vector<32x1xf32>
    %select_n3A_119 = arith.select %le3A_116, %mul3A_118, %slice3A_107 : vector<32x1xi1>, vector<32x1xf32>
    %mul3A_120 = vector.broadcast %get3A_1 : f32 to vector<32x1xf32>
    %mul3A_121 = arith.mulf %slice3A_108, %mul3A_120 : vector<32x1xf32>
    %select_n3A_122 = arith.select %le3A_116, %mul3A_121, %slice3A_108 : vector<32x1xi1>, vector<32x1xf32>
    %mul3A_123 = vector.broadcast %get3A_1 : f32 to vector<32x1xf32>
    %mul3A_124 = arith.mulf %slice3A_109, %mul3A_123 : vector<32x1xf32>
    %select_n3A_125 = arith.select %le3A_116, %mul3A_124, %slice3A_109 : vector<32x1xi1>, vector<32x1xf32>
    %mul3A_126 = vector.broadcast %get3A_1 : f32 to vector<32x1xf32>
    %mul3A_127 = arith.mulf %slice3A_110, %mul3A_126 : vector<32x1xf32>
    %select_n3A_128 = arith.select %le3A_116, %mul3A_127, %slice3A_110 : vector<32x1xi1>, vector<32x1xf32>
    %slice3A_129 = vector.extract_strided_slice %get3A_13 {offsets = [0, 3], sizes = [32, 1], strides = [1, 1]} : vector<32x4xi32> to vector<32x1xi32>
    %gt3A_130 = arith.constant 0 : i32
    %gt3A_131 = vector.broadcast %gt3A_130 : i32 to vector<32x1xi32>
    %gt3A_132 = arith.cmpi sgt, %slice3A_129, %gt3A_131 : vector<32x1xi32>
    %sub3A_133 = arith.subf %select_n3A_125, %select_n3A_119 : vector<32x1xf32>
    %gt3A_134 = arith.constant 0.000000e+00 : f32
    %gt3A_135 = vector.broadcast %gt3A_134 : f32 to vector<32x1xf32>
    %gt3A_136 = arith.cmpf ogt, %sub3A_133, %gt3A_135 : vector<32x1xf32>
    %and3A_137 = arith.andi %gt3A_132, %gt3A_136 : vector<32x1xi1>
    %sub3A_138 = arith.subf %select_n3A_128, %select_n3A_122 : vector<32x1xf32>
    %gt3A_139 = arith.constant 0.000000e+00 : f32
    %gt3A_140 = vector.broadcast %gt3A_139 : f32 to vector<32x1xf32>
    %gt3A_141 = arith.cmpf ogt, %sub3A_138, %gt3A_140 : vector<32x1xf32>
    %and3A_142 = arith.andi %and3A_137, %gt3A_141 : vector<32x1xi1>
    %sub3A_143 = arith.subf %select_n3A_119, %select_n3A : vector<32x1xf32>
    %div3A_144 = arith.divf %sub3A_143, %select_n3A_89 : vector<32x1xf32>
    %jit3A_145 = arith.constant 0.000000e+00 : f32
    %jit3A_146 = arith.constant 1.000000e+00 : f32
    %max3A_147 = vector.broadcast %jit3A_145 : f32 to vector<32x1xf32>
    %max3A_148 = arith.maximumf %max3A_147, %div3A_144 : vector<32x1xf32>
    %min3A_149 = vector.broadcast %jit3A_146 : f32 to vector<32x1xf32>
    %min3A_150 = arith.minimumf %min3A_149, %max3A_148 : vector<32x1xf32>
    %sub3A_151 = arith.subf %select_n3A_122, %select_n3A_23 : vector<32x1xf32>
    %div3A_152 = arith.divf %sub3A_151, %select_n3A_95 : vector<32x1xf32>
    %jit3A_153 = arith.constant 0.000000e+00 : f32
    %jit3A_154 = arith.constant 1.000000e+00 : f32
    %max3A_155 = vector.broadcast %jit3A_153 : f32 to vector<32x1xf32>
    %max3A_156 = arith.maximumf %max3A_155, %div3A_152 : vector<32x1xf32>
    %min3A_157 = vector.broadcast %jit3A_154 : f32 to vector<32x1xf32>
    %min3A_158 = arith.minimumf %min3A_157, %max3A_156 : vector<32x1xf32>
    %sub3A_159 = arith.subf %select_n3A_125, %select_n3A : vector<32x1xf32>
    %div3A_160 = arith.divf %sub3A_159, %select_n3A_89 : vector<32x1xf32>
    %jit3A_161 = arith.constant 0.000000e+00 : f32
    %jit3A_162 = arith.constant 1.000000e+00 : f32
    %max3A_163 = vector.broadcast %jit3A_161 : f32 to vector<32x1xf32>
    %max3A_164 = arith.maximumf %max3A_163, %div3A_160 : vector<32x1xf32>
    %min3A_165 = vector.broadcast %jit3A_162 : f32 to vector<32x1xf32>
    %min3A_166 = arith.minimumf %min3A_165, %max3A_164 : vector<32x1xf32>
    %sub3A_167 = arith.subf %select_n3A_128, %select_n3A_23 : vector<32x1xf32>
    %div3A_168 = arith.divf %sub3A_167, %select_n3A_95 : vector<32x1xf32>
    %jit3A_169 = arith.constant 0.000000e+00 : f32
    %jit3A_170 = arith.constant 1.000000e+00 : f32
    %max3A_171 = vector.broadcast %jit3A_169 : f32 to vector<32x1xf32>
    %max3A_172 = arith.maximumf %max3A_171, %div3A_168 : vector<32x1xf32>
    %min3A_173 = vector.broadcast %jit3A_170 : f32 to vector<32x1xf32>
    %min3A_174 = arith.minimumf %min3A_173, %max3A_172 : vector<32x1xf32>
    %iota3A = tpu.iota {dimensions = array<i32: 0>} : vector<32x32xi32>
    %iota3A_175 = tpu.iota {dimensions = array<i32: 1>} : vector<32x32xi32>
    %jit3A_176 = arith.constant 4 : i32
    %div3A_177 = vector.broadcast %jit3A_176 : i32 to vector<32x32xi32>
    %div3A_178 = arith.divsi %iota3A, %div3A_177 : vector<32x32xi32>
    %sign3A = arith.constant 0 : i32
    %sign3A_179 = vector.broadcast %sign3A : i32 to vector<32x32xi32>
    %sign3A_180 = arith.cmpi sgt, %iota3A, %sign3A_179 : vector<32x32xi32>
    %sign3A_181 = arith.extui %sign3A_180 : vector<32x32xi1> to vector<32x32xi32>
    %sign3A_182 = arith.constant 0 : i32
    %sign3A_183 = vector.broadcast %sign3A_182 : i32 to vector<32x32xi32>
    %sign3A_184 = arith.cmpi slt, %iota3A, %sign3A_183 : vector<32x32xi32>
    %sign3A_185 = arith.extui %sign3A_184 : vector<32x32xi1> to vector<32x32xi32>
    %sign3A_186 = arith.subi %sign3A_181, %sign3A_185 : vector<32x32xi32>
    %sign3A_187 = arith.constant 0 : i32
    %sign3A_188 = arith.cmpi sgt, %jit3A_176, %sign3A_187 : i32
    %sign3A_189 = arith.extui %sign3A_188 : i1 to i32
    %sign3A_190 = arith.constant 0 : i32
    %sign3A_191 = arith.cmpi slt, %jit3A_176, %sign3A_190 : i32
    %sign3A_192 = arith.extui %sign3A_191 : i1 to i32
    %sign3A_193 = arith.subi %sign3A_189, %sign3A_192 : i32
    %ne3A = vector.broadcast %sign3A_193 : i32 to vector<32x32xi32>
    %ne3A_194 = arith.cmpi ne, %sign3A_186, %ne3A : vector<32x32xi32>
    %rem3A = vector.broadcast %jit3A_176 : i32 to vector<32x32xi32>
    %rem3A_195 = arith.remsi %iota3A, %rem3A : vector<32x32xi32>
    %ne3A_196 = arith.constant 0 : i32
    %ne3A_197 = vector.broadcast %ne3A_196 : i32 to vector<32x32xi32>
    %ne3A_198 = arith.cmpi ne, %rem3A_195, %ne3A_197 : vector<32x32xi32>
    %and3A_199 = arith.andi %ne3A_194, %ne3A_198 : vector<32x32xi1>
    %sub3A_200 = arith.constant 1 : i32
    %sub3A_201 = vector.broadcast %sub3A_200 : i32 to vector<32x32xi32>
    %sub3A_202 = arith.subi %div3A_178, %sub3A_201 : vector<32x32xi32>
    %select_n3A_203 = arith.select %and3A_199, %sub3A_202, %div3A_178 : vector<32x32xi1>, vector<32x32xi32>
    %jit3A_204 = arith.constant 4 : i32
    %div3A_205 = vector.broadcast %jit3A_204 : i32 to vector<32x32xi32>
    %div3A_206 = arith.divsi %iota3A_175, %div3A_205 : vector<32x32xi32>
    %sign3A_207 = arith.constant 0 : i32
    %sign3A_208 = vector.broadcast %sign3A_207 : i32 to vector<32x32xi32>
    %sign3A_209 = arith.cmpi sgt, %iota3A_175, %sign3A_208 : vector<32x32xi32>
    %sign3A_210 = arith.extui %sign3A_209 : vector<32x32xi1> to vector<32x32xi32>
    %sign3A_211 = arith.constant 0 : i32
    %sign3A_212 = vector.broadcast %sign3A_211 : i32 to vector<32x32xi32>
    %sign3A_213 = arith.cmpi slt, %iota3A_175, %sign3A_212 : vector<32x32xi32>
    %sign3A_214 = arith.extui %sign3A_213 : vector<32x32xi1> to vector<32x32xi32>
    %sign3A_215 = arith.subi %sign3A_210, %sign3A_214 : vector<32x32xi32>
    %sign3A_216 = arith.constant 0 : i32
    %sign3A_217 = arith.cmpi sgt, %jit3A_204, %sign3A_216 : i32
    %sign3A_218 = arith.extui %sign3A_217 : i1 to i32
    %sign3A_219 = arith.constant 0 : i32
    %sign3A_220 = arith.cmpi slt, %jit3A_204, %sign3A_219 : i32
    %sign3A_221 = arith.extui %sign3A_220 : i1 to i32
    %sign3A_222 = arith.subi %sign3A_218, %sign3A_221 : i32
    %ne3A_223 = vector.broadcast %sign3A_222 : i32 to vector<32x32xi32>
    %ne3A_224 = arith.cmpi ne, %sign3A_215, %ne3A_223 : vector<32x32xi32>
    %rem3A_225 = vector.broadcast %jit3A_204 : i32 to vector<32x32xi32>
    %rem3A_226 = arith.remsi %iota3A_175, %rem3A_225 : vector<32x32xi32>
    %ne3A_227 = arith.constant 0 : i32
    %ne3A_228 = vector.broadcast %ne3A_227 : i32 to vector<32x32xi32>
    %ne3A_229 = arith.cmpi ne, %rem3A_226, %ne3A_228 : vector<32x32xi32>
    %and3A_230 = arith.andi %ne3A_224, %ne3A_229 : vector<32x32xi1>
    %sub3A_231 = arith.constant 1 : i32
    %sub3A_232 = vector.broadcast %sub3A_231 : i32 to vector<32x32xi32>
    %sub3A_233 = arith.subi %div3A_206, %sub3A_232 : vector<32x32xi32>
    %select_n3A_234 = arith.select %and3A_230, %sub3A_233, %div3A_206 : vector<32x32xi1>, vector<32x32xi32>
    %eq3A = arith.cmpi eq, %select_n3A_203, %select_n3A_234 : vector<32x32xi32>
    %broadcast_in_dim3A_235 = arith.constant 1.000000e+00 : f32
    %broadcast_in_dim3A_236 = vector.broadcast %broadcast_in_dim3A_235 : f32 to vector<32x1xf32>
    %dot_general3A = arith.constant dense<0.000000e+00> : vector<32x32xf32>
    %dot_general3A_237 = tpu.matmul %broadcast_in_dim3A_236, %mul3A_79, %dot_general3A {dimension_numbers = #tpu.dot_dimension_numbers<[1], [1], [0], [0], [0, 0, 1, 0], [], []>, precision = #tpu.contract_precision<fp32>, transpose_lhs_hint = false} : vector<32x1xf32>, vector<32x1xf32>, vector<32x32xf32> -> vector<32x32xf32>
    %lt3A_238 = vector.broadcast %mul3A_79 : vector<32x1xf32> to vector<32x32xf32>
    %lt3A_239 = arith.cmpf olt, %dot_general3A_237, %lt3A_238 : vector<32x32xf32>
    %eq3A_240 = vector.broadcast %mul3A_79 : vector<32x1xf32> to vector<32x32xf32>
    %eq3A_241 = arith.cmpf oeq, %dot_general3A_237, %eq3A_240 : vector<32x32xf32>
    %lt3A_242 = arith.cmpi slt, %iota3A_175, %iota3A : vector<32x32xi32>
    %and3A_243 = arith.andi %eq3A_241, %lt3A_242 : vector<32x32xi1>
    %or3A = arith.ori %lt3A_239, %and3A_243 : vector<32x32xi1>
    %and3A_244 = arith.andi %eq3A, %or3A : vector<32x32xi1>
    %convert_element_type3A_245 = arith.extui %and3A_244 : vector<32x32xi1> to vector<32x32xi32>
    %convert_element_type3A_246 = arith.sitofp %convert_element_type3A_245 : vector<32x32xi32> to vector<32x32xf32>
    %reduce_sum3A = arith.constant dense<0.000000e+00> : vector<32xf32>
    %reduce_sum3A_247 = vector.multi_reduction <add>, %convert_element_type3A_246, %reduce_sum3A [1] : vector<32x32xf32> to vector<32xf32>
    %broadcast_in_dim3A_248 = vector.shape_cast %reduce_sum3A_247 : vector<32xf32> to vector<32x1xf32>
    %iota3A_249 = tpu.iota {dimensions = array<i32: 0>} : vector<32x1xi32>
    %jit3A_250 = arith.constant 4 : i32
    %div3A_251 = vector.broadcast %jit3A_250 : i32 to vector<32x1xi32>
    %div3A_252 = arith.divsi %iota3A_249, %div3A_251 : vector<32x1xi32>
    %sign3A_253 = arith.constant 0 : i32
    %sign3A_254 = vector.broadcast %sign3A_253 : i32 to vector<32x1xi32>
    %sign3A_255 = arith.cmpi sgt, %iota3A_249, %sign3A_254 : vector<32x1xi32>
    %sign3A_256 = arith.extui %sign3A_255 : vector<32x1xi1> to vector<32x1xi32>
    %sign3A_257 = arith.constant 0 : i32
    %sign3A_258 = vector.broadcast %sign3A_257 : i32 to vector<32x1xi32>
    %sign3A_259 = arith.cmpi slt, %iota3A_249, %sign3A_258 : vector<32x1xi32>
    %sign3A_260 = arith.extui %sign3A_259 : vector<32x1xi1> to vector<32x1xi32>
    %sign3A_261 = arith.subi %sign3A_256, %sign3A_260 : vector<32x1xi32>
    %sign3A_262 = arith.constant 0 : i32
    %sign3A_263 = arith.cmpi sgt, %jit3A_250, %sign3A_262 : i32
    %sign3A_264 = arith.extui %sign3A_263 : i1 to i32
    %sign3A_265 = arith.constant 0 : i32
    %sign3A_266 = arith.cmpi slt, %jit3A_250, %sign3A_265 : i32
    %sign3A_267 = arith.extui %sign3A_266 : i1 to i32
    %sign3A_268 = arith.subi %sign3A_264, %sign3A_267 : i32
    %ne3A_269 = vector.broadcast %sign3A_268 : i32 to vector<32x1xi32>
    %ne3A_270 = arith.cmpi ne, %sign3A_261, %ne3A_269 : vector<32x1xi32>
    %rem3A_271 = vector.broadcast %jit3A_250 : i32 to vector<32x1xi32>
    %rem3A_272 = arith.remsi %iota3A_249, %rem3A_271 : vector<32x1xi32>
    %ne3A_273 = arith.constant 0 : i32
    %ne3A_274 = vector.broadcast %ne3A_273 : i32 to vector<32x1xi32>
    %ne3A_275 = arith.cmpi ne, %rem3A_272, %ne3A_274 : vector<32x1xi32>
    %and3A_276 = arith.andi %ne3A_270, %ne3A_275 : vector<32x1xi1>
    %sub3A_277 = arith.constant 1 : i32
    %sub3A_278 = vector.broadcast %sub3A_277 : i32 to vector<32x1xi32>
    %sub3A_279 = arith.subi %div3A_252, %sub3A_278 : vector<32x1xi32>
    %select_n3A_280 = arith.select %and3A_276, %sub3A_279, %div3A_252 : vector<32x1xi1>, vector<32x1xi32>
    %mul3A_281 = arith.constant 1600 : i32
    %mul3A_282 = vector.broadcast %mul3A_281 : i32 to vector<32x1xi32>
    %mul3A_283 = arith.muli %select_n3A_280, %mul3A_282 : vector<32x1xi32>
    %mul3A_284 = arith.constant 40 : i32
    %mul3A_285 = vector.broadcast %mul3A_284 : i32 to vector<32x1xi32>
    %mul3A_286 = arith.muli %min3A_69, %mul3A_285 : vector<32x1xi32>
    %add3A_287 = arith.addi %mul3A_283, %mul3A_286 : vector<32x1xi32>
    %add3A_288 = arith.addi %add3A_287, %min3A_63 : vector<32x1xi32>
    %convert_element_type3A_289 = arith.sitofp %add3A_288 : vector<32x1xi32> to vector<32x1xf32>
    %dot_general3A_290 = arith.constant dense<0.000000e+00> : vector<32x32xf32>
    %dot_general3A_291 = tpu.matmul %broadcast_in_dim3A_236, %convert_element_type3A_289, %dot_general3A_290 {dimension_numbers = #tpu.dot_dimension_numbers<[1], [1], [0], [0], [0, 0, 1, 0], [], []>, precision = #tpu.contract_precision<fp32>, transpose_lhs_hint = false} : vector<32x1xf32>, vector<32x1xf32>, vector<32x32xf32> -> vector<32x32xf32>
    %eq3A_292 = vector.broadcast %convert_element_type3A_289 : vector<32x1xf32> to vector<32x32xf32>
    %eq3A_293 = arith.cmpf oeq, %dot_general3A_291, %eq3A_292 : vector<32x32xf32>
    %and3A_294 = arith.andi %eq3A, %eq3A_293 : vector<32x32xi1>
    %ne3A_295 = arith.cmpi ne, %iota3A_175, %iota3A : vector<32x32xi32>
    %and3A_296 = arith.andi %and3A_294, %ne3A_295 : vector<32x32xi1>
    %convert_element_type3A_297 = arith.extui %and3A_296 : vector<32x32xi1> to vector<32x32xi32>
    %convert_element_type3A_298 = arith.sitofp %convert_element_type3A_297 : vector<32x32xi32> to vector<32x32xf32>
    %broadcast_in_dim3A_299 = arith.constant 0.000000e+00 : f32
    %broadcast_in_dim3A_300 = vector.broadcast %broadcast_in_dim3A_299 : f32 to vector<32x1xf32>
    %convert_element_type3A_301 = arith.extui %and3A_70 : vector<32x1xi1> to vector<32x1xi32>
    %convert_element_type3A_302 = arith.sitofp %convert_element_type3A_301 : vector<32x1xi32> to vector<32x1xf32>
    %dot_general3A_303 = arith.constant dense<0.000000e+00> : vector<32x32xf32>
    %dot_general3A_304 = tpu.matmul %broadcast_in_dim3A_236, %broadcast_in_dim3A_300, %dot_general3A_303 {dimension_numbers = #tpu.dot_dimension_numbers<[1], [1], [0], [0], [0, 0, 1, 0], [], []>, precision = #tpu.contract_precision<fp32>, transpose_lhs_hint = false} : vector<32x1xf32>, vector<32x1xf32>, vector<32x32xf32> -> vector<32x32xf32>
    %mul3A_305 = arith.mulf %convert_element_type3A_298, %dot_general3A_304 : vector<32x32xf32>
    %reduce_sum3A_306 = arith.constant dense<0.000000e+00> : vector<32xf32>
    %reduce_sum3A_307 = vector.multi_reduction <add>, %mul3A_305, %reduce_sum3A_306 [1] : vector<32x32xf32> to vector<32xf32>
    %broadcast_in_dim3A_308 = vector.shape_cast %reduce_sum3A_307 : vector<32xf32> to vector<32x1xf32>
    %eq3A_309 = arith.constant 0.000000e+00 : f32
    %eq3A_310 = vector.broadcast %eq3A_309 : f32 to vector<32x1xf32>
    %eq3A_311 = arith.cmpf oeq, %broadcast_in_dim3A_248, %eq3A_310 : vector<32x1xf32>
    %lt3A_312 = arith.constant 5.000000e-01 : f32
    %lt3A_313 = vector.broadcast %lt3A_312 : f32 to vector<32x1xf32>
    %lt3A_314 = arith.cmpf olt, %broadcast_in_dim3A_308, %lt3A_313 : vector<32x1xf32>
    %and3A_315 = arith.andi %eq3A_311, %lt3A_314 : vector<32x1xi1>
    %jit3A_316 = arith.constant 0.000000e+00 : f32
    %broadcast_in_dim3A_317 = vector.broadcast %jit3A_316 : f32 to vector<32x1xf32>
    %select_n3A_318 = arith.select %and3A_315, %convert_element_type3A_302, %broadcast_in_dim3A_317 : vector<32x1xi1>, vector<32x1xf32>
    %add3A_319 = arith.addf %broadcast_in_dim3A_300, %select_n3A_318 : vector<32x1xf32>
    %dot_general3A_320 = arith.constant dense<0.000000e+00> : vector<32x32xf32>
    %dot_general3A_321 = tpu.matmul %broadcast_in_dim3A_236, %add3A_319, %dot_general3A_320 {dimension_numbers = #tpu.dot_dimension_numbers<[1], [1], [0], [0], [0, 0, 1, 0], [], []>, precision = #tpu.contract_precision<fp32>, transpose_lhs_hint = false} : vector<32x1xf32>, vector<32x1xf32>, vector<32x32xf32> -> vector<32x32xf32>
    %mul3A_322 = arith.mulf %convert_element_type3A_298, %dot_general3A_321 : vector<32x32xf32>
    %reduce_sum3A_323 = arith.constant dense<0.000000e+00> : vector<32xf32>
    %reduce_sum3A_324 = vector.multi_reduction <add>, %mul3A_322, %reduce_sum3A_323 [1] : vector<32x32xf32> to vector<32xf32>
    %broadcast_in_dim3A_325 = vector.shape_cast %reduce_sum3A_324 : vector<32xf32> to vector<32x1xf32>
    %eq3A_326 = arith.constant 1.000000e+00 : f32
    %eq3A_327 = vector.broadcast %eq3A_326 : f32 to vector<32x1xf32>
    %eq3A_328 = arith.cmpf oeq, %broadcast_in_dim3A_248, %eq3A_327 : vector<32x1xf32>
    %lt3A_329 = arith.constant 5.000000e-01 : f32
    %lt3A_330 = vector.broadcast %lt3A_329 : f32 to vector<32x1xf32>
    %lt3A_331 = arith.cmpf olt, %broadcast_in_dim3A_325, %lt3A_330 : vector<32x1xf32>
    %and3A_332 = arith.andi %eq3A_328, %lt3A_331 : vector<32x1xi1>
    %jit3A_333 = arith.constant 0.000000e+00 : f32
    %broadcast_in_dim3A_334 = vector.broadcast %jit3A_333 : f32 to vector<32x1xf32>
    %select_n3A_335 = arith.select %and3A_332, %convert_element_type3A_302, %broadcast_in_dim3A_334 : vector<32x1xi1>, vector<32x1xf32>
    %add3A_336 = arith.addf %add3A_319, %select_n3A_335 : vector<32x1xf32>
    %dot_general3A_337 = arith.constant dense<0.000000e+00> : vector<32x32xf32>
    %dot_general3A_338 = tpu.matmul %broadcast_in_dim3A_236, %add3A_336, %dot_general3A_337 {dimension_numbers = #tpu.dot_dimension_numbers<[1], [1], [0], [0], [0, 0, 1, 0], [], []>, precision = #tpu.contract_precision<fp32>, transpose_lhs_hint = false} : vector<32x1xf32>, vector<32x1xf32>, vector<32x32xf32> -> vector<32x32xf32>
    %mul3A_339 = arith.mulf %convert_element_type3A_298, %dot_general3A_338 : vector<32x32xf32>
    %reduce_sum3A_340 = arith.constant dense<0.000000e+00> : vector<32xf32>
    %reduce_sum3A_341 = vector.multi_reduction <add>, %mul3A_339, %reduce_sum3A_340 [1] : vector<32x32xf32> to vector<32xf32>
    %broadcast_in_dim3A_342 = vector.shape_cast %reduce_sum3A_341 : vector<32xf32> to vector<32x1xf32>
    %eq3A_343 = arith.constant 2.000000e+00 : f32
    %eq3A_344 = vector.broadcast %eq3A_343 : f32 to vector<32x1xf32>
    %eq3A_345 = arith.cmpf oeq, %broadcast_in_dim3A_248, %eq3A_344 : vector<32x1xf32>
    %lt3A_346 = arith.constant 5.000000e-01 : f32
    %lt3A_347 = vector.broadcast %lt3A_346 : f32 to vector<32x1xf32>
    %lt3A_348 = arith.cmpf olt, %broadcast_in_dim3A_342, %lt3A_347 : vector<32x1xf32>
    %and3A_349 = arith.andi %eq3A_345, %lt3A_348 : vector<32x1xi1>
    %jit3A_350 = arith.constant 0.000000e+00 : f32
    %broadcast_in_dim3A_351 = vector.broadcast %jit3A_350 : f32 to vector<32x1xf32>
    %select_n3A_352 = arith.select %and3A_349, %convert_element_type3A_302, %broadcast_in_dim3A_351 : vector<32x1xi1>, vector<32x1xf32>
    %add3A_353 = arith.addf %add3A_336, %select_n3A_352 : vector<32x1xf32>
    %dot_general3A_354 = arith.constant dense<0.000000e+00> : vector<32x32xf32>
    %dot_general3A_355 = tpu.matmul %broadcast_in_dim3A_236, %add3A_353, %dot_general3A_354 {dimension_numbers = #tpu.dot_dimension_numbers<[1], [1], [0], [0], [0, 0, 1, 0], [], []>, precision = #tpu.contract_precision<fp32>, transpose_lhs_hint = false} : vector<32x1xf32>, vector<32x1xf32>, vector<32x32xf32> -> vector<32x32xf32>
    %mul3A_356 = arith.mulf %convert_element_type3A_298, %dot_general3A_355 : vector<32x32xf32>
    %reduce_sum3A_357 = arith.constant dense<0.000000e+00> : vector<32xf32>
    %reduce_sum3A_358 = vector.multi_reduction <add>, %mul3A_356, %reduce_sum3A_357 [1] : vector<32x32xf32> to vector<32xf32>
    %broadcast_in_dim3A_359 = vector.shape_cast %reduce_sum3A_358 : vector<32xf32> to vector<32x1xf32>
    %eq3A_360 = arith.constant 3.000000e+00 : f32
    %eq3A_361 = vector.broadcast %eq3A_360 : f32 to vector<32x1xf32>
    %eq3A_362 = arith.cmpf oeq, %broadcast_in_dim3A_248, %eq3A_361 : vector<32x1xf32>
    %lt3A_363 = arith.constant 5.000000e-01 : f32
    %lt3A_364 = vector.broadcast %lt3A_363 : f32 to vector<32x1xf32>
    %lt3A_365 = arith.cmpf olt, %broadcast_in_dim3A_359, %lt3A_364 : vector<32x1xf32>
    %and3A_366 = arith.andi %eq3A_362, %lt3A_365 : vector<32x1xi1>
    %jit3A_367 = arith.constant 0.000000e+00 : f32
    %broadcast_in_dim3A_368 = vector.broadcast %jit3A_367 : f32 to vector<32x1xf32>
    %select_n3A_369 = arith.select %and3A_366, %convert_element_type3A_302, %broadcast_in_dim3A_368 : vector<32x1xi1>, vector<32x1xf32>
    %add3A_370 = arith.addf %add3A_353, %select_n3A_369 : vector<32x1xf32>
    %reduce_sum3A_371 = vector.shape_cast %add3A_370 : vector<32x1xf32> to vector<1x32x1xf32>
    %reduce_sum3A_372 = arith.constant dense<0.000000e+00> : vector<1xf32>
    %reduce_sum3A_373 = vector.multi_reduction <add>, %reduce_sum3A_371, %reduce_sum3A_372 [1, 2] : vector<1x32x1xf32> to vector<1xf32>
    %reduce_sum3A_374 = vector.shape_cast %reduce_sum3A_373 : vector<1xf32> to vector<1x1x1xf32>
    %reduce_sum3A_375 = vector.extract %reduce_sum3A_374[0, 0, 0] : f32 from vector<1x1x1xf32>
    %get3A_376 = arith.constant 0 : index
    %get3A_377 = arith.constant 0 : index
    %get3A_378 = vector.load %arg4[%get3A_376, %get3A_377] : memref<32x160xf32, #tpu.memory_space<vmem>>, vector<32x160xf32>
    %slice3A_379 = vector.extract_strided_slice %get3A_378 {offsets = [0, 0], sizes = [32, 1], strides = [1, 1]} : vector<32x160xf32> to vector<32x1xf32>
    %slice3A_380 = vector.extract_strided_slice %get3A_378 {offsets = [0, 1], sizes = [32, 4], strides = [1, 1]} : vector<32x160xf32> to vector<32x4xf32>
    %slice3A_381 = vector.extract_strided_slice %get3A_378 {offsets = [0, 5], sizes = [32, 4], strides = [1, 1]} : vector<32x160xf32> to vector<32x4xf32>
    %slice3A_382 = vector.extract_strided_slice %get3A_378 {offsets = [0, 9], sizes = [32, 120], strides = [1, 1]} : vector<32x160xf32> to vector<32x120xf32>
    %slice3A_383 = vector.extract_strided_slice %get3A_378 {offsets = [0, 129], sizes = [32, 8], strides = [1, 1]} : vector<32x160xf32> to vector<32x8xf32>
    %slice3A_384 = vector.extract_strided_slice %get3A_378 {offsets = [0, 137], sizes = [32, 16], strides = [1, 1]} : vector<32x160xf32> to vector<32x16xf32>
    %slice3A_385 = vector.extract_strided_slice %slice3A_380 {offsets = [0, 0], sizes = [32, 2], strides = [1, 1]} : vector<32x4xf32> to vector<32x2xf32>
    %neg3A = arith.constant 0.000000e+00 : f32
    %neg3A_386 = vector.broadcast %neg3A : f32 to vector<32x2xf32>
    %neg3A_387 = arith.subf %neg3A_386, %slice3A_385 : vector<32x2xf32>
    %exp3A = math.exp %neg3A_387 : vector<32x2xf32>
    %add3A_388 = arith.constant 1.000000e+00 : f32
    %add3A_389 = vector.broadcast %add3A_388 : f32 to vector<32x2xf32>
    %add3A_390 = arith.addf %add3A_389, %exp3A : vector<32x2xf32>
    %div3A_391 = arith.constant 1.000000e+00 : f32
    %div3A_392 = vector.broadcast %div3A_391 : f32 to vector<32x2xf32>
    %div3A_393 = arith.divf %div3A_392, %add3A_390 : vector<32x2xf32>
    %concatenate3A = tpu.concatenate %sub3A_81, %sub3A_83 in 1 : vector<32x1xf32>, vector<32x1xf32> -> vector<32x2xf32>
    %concatenate3A_394 = tpu.concatenate %log3A, %log3A_106 in 1 : vector<32x1xf32>, vector<32x1xf32> -> vector<32x2xf32>
    %sub3A_395 = arith.subf %div3A_393, %concatenate3A : vector<32x2xf32>
    %abs3A = math.absf %sub3A_395 : vector<32x2xf32>
    %lt3A_396 = arith.constant 1.000000e+00 : f32
    %lt3A_397 = vector.broadcast %lt3A_396 : f32 to vector<32x2xf32>
    %lt3A_398 = arith.cmpf olt, %abs3A, %lt3A_397 : vector<32x2xf32>
    %mul3A_399 = arith.constant 5.000000e-01 : f32
    %mul3A_400 = vector.broadcast %mul3A_399 : f32 to vector<32x2xf32>
    %mul3A_401 = arith.mulf %mul3A_400, %abs3A : vector<32x2xf32>
    %mul3A_402 = arith.mulf %mul3A_401, %abs3A : vector<32x2xf32>
    %sub3A_403 = arith.constant 5.000000e-01 : f32
    %sub3A_404 = vector.broadcast %sub3A_403 : f32 to vector<32x2xf32>
    %sub3A_405 = arith.subf %abs3A, %sub3A_404 : vector<32x2xf32>
    %select_n3A_406 = arith.select %lt3A_398, %mul3A_402, %sub3A_405 : vector<32x2xi1>, vector<32x2xf32>
    %reduce_sum3A_407 = arith.constant dense<0.000000e+00> : vector<32xf32>
    %reduce_sum3A_408 = vector.multi_reduction <add>, %select_n3A_406, %reduce_sum3A_407 [1] : vector<32x2xf32> to vector<32xf32>
    %broadcast_in_dim3A_409 = vector.shape_cast %reduce_sum3A_408 : vector<32xf32> to vector<32x1xf32>
    %slice3A_410 = vector.extract_strided_slice %slice3A_380 {offsets = [0, 2], sizes = [32, 2], strides = [1, 1]} : vector<32x4xf32> to vector<32x2xf32>
    %sub3A_411 = arith.subf %slice3A_410, %concatenate3A_394 : vector<32x2xf32>
    %abs3A_412 = math.absf %sub3A_411 : vector<32x2xf32>
    %lt3A_413 = arith.constant 1.000000e+00 : f32
    %lt3A_414 = vector.broadcast %lt3A_413 : f32 to vector<32x2xf32>
    %lt3A_415 = arith.cmpf olt, %abs3A_412, %lt3A_414 : vector<32x2xf32>
    %mul3A_416 = arith.constant 5.000000e-01 : f32
    %mul3A_417 = vector.broadcast %mul3A_416 : f32 to vector<32x2xf32>
    %mul3A_418 = arith.mulf %mul3A_417, %abs3A_412 : vector<32x2xf32>
    %mul3A_419 = arith.mulf %mul3A_418, %abs3A_412 : vector<32x2xf32>
    %sub3A_420 = arith.constant 5.000000e-01 : f32
    %sub3A_421 = vector.broadcast %sub3A_420 : f32 to vector<32x2xf32>
    %sub3A_422 = arith.subf %abs3A_412, %sub3A_421 : vector<32x2xf32>
    %select_n3A_423 = arith.select %lt3A_415, %mul3A_419, %sub3A_422 : vector<32x2xi1>, vector<32x2xf32>
    %reduce_sum3A_424 = arith.constant dense<0.000000e+00> : vector<32xf32>
    %reduce_sum3A_425 = vector.multi_reduction <add>, %select_n3A_423, %reduce_sum3A_424 [1] : vector<32x2xf32> to vector<32xf32>
    %broadcast_in_dim3A_426 = vector.shape_cast %reduce_sum3A_425 : vector<32xf32> to vector<32x1xf32>
    %add3A_427 = arith.addf %broadcast_in_dim3A_409, %broadcast_in_dim3A_426 : vector<32x1xf32>
    %mul3A_428 = arith.mulf %add3A_370, %add3A_427 : vector<32x1xf32>
    %reduce_sum3A_429 = vector.shape_cast %mul3A_428 : vector<32x1xf32> to vector<1x32x1xf32>
    %reduce_sum3A_430 = arith.constant dense<0.000000e+00> : vector<1xf32>
    %reduce_sum3A_431 = vector.multi_reduction <add>, %reduce_sum3A_429, %reduce_sum3A_430 [1, 2] : vector<1x32x1xf32> to vector<1xf32>
    %reduce_sum3A_432 = vector.shape_cast %reduce_sum3A_431 : vector<1xf32> to vector<1x1x1xf32>
    %reduce_sum3A_433 = vector.extract %reduce_sum3A_432[0, 0, 0] : f32 from vector<1x1x1xf32>
    %mul3A_434 = arith.constant 5.000000e+00 : f32
    %mul3A_435 = arith.mulf %mul3A_434, %reduce_sum3A_433 : f32
    %neg3A_436 = arith.constant 0.000000e+00 : f32
    %neg3A_437 = vector.broadcast %neg3A_436 : f32 to vector<32x4xf32>
    %neg3A_438 = arith.subf %neg3A_437, %slice3A_381 : vector<32x4xf32>
    %exp3A_439 = math.exp %neg3A_438 : vector<32x4xf32>
    %add3A_440 = arith.constant 1.000000e+00 : f32
    %add3A_441 = vector.broadcast %add3A_440 : f32 to vector<32x4xf32>
    %add3A_442 = arith.addf %add3A_441, %exp3A_439 : vector<32x4xf32>
    %div3A_443 = arith.constant 1.000000e+00 : f32
    %div3A_444 = vector.broadcast %div3A_443 : f32 to vector<32x4xf32>
    %div3A_445 = arith.divf %div3A_444, %add3A_442 : vector<32x4xf32>
    %concatenate3A_446 = tpu.concatenate %min3A_150, %min3A_158, %min3A_166, %min3A_174 in 1 : vector<32x1xf32>, vector<32x1xf32>, vector<32x1xf32>, vector<32x1xf32> -> vector<32x4xf32>
    %sub3A_447 = arith.subf %div3A_445, %concatenate3A_446 : vector<32x4xf32>
    %abs3A_448 = math.absf %sub3A_447 : vector<32x4xf32>
    %lt3A_449 = arith.constant 1.000000e+00 : f32
    %lt3A_450 = vector.broadcast %lt3A_449 : f32 to vector<32x4xf32>
    %lt3A_451 = arith.cmpf olt, %abs3A_448, %lt3A_450 : vector<32x4xf32>
    %mul3A_452 = arith.constant 5.000000e-01 : f32
    %mul3A_453 = vector.broadcast %mul3A_452 : f32 to vector<32x4xf32>
    %mul3A_454 = arith.mulf %mul3A_453, %abs3A_448 : vector<32x4xf32>
    %mul3A_455 = arith.mulf %mul3A_454, %abs3A_448 : vector<32x4xf32>
    %sub3A_456 = arith.constant 5.000000e-01 : f32
    %sub3A_457 = vector.broadcast %sub3A_456 : f32 to vector<32x4xf32>
    %sub3A_458 = arith.subf %abs3A_448, %sub3A_457 : vector<32x4xf32>
    %select_n3A_459 = arith.select %lt3A_451, %mul3A_455, %sub3A_458 : vector<32x4xi1>, vector<32x4xf32>
    %reduce_sum3A_460 = arith.constant dense<0.000000e+00> : vector<32xf32>
    %reduce_sum3A_461 = vector.multi_reduction <add>, %select_n3A_459, %reduce_sum3A_460 [1] : vector<32x4xf32> to vector<32xf32>
    %broadcast_in_dim3A_462 = vector.shape_cast %reduce_sum3A_461 : vector<32xf32> to vector<32x1xf32>
    %convert_element_type3A_463 = arith.extui %and3A_142 : vector<32x1xi1> to vector<32x1xi32>
    %convert_element_type3A_464 = arith.sitofp %convert_element_type3A_463 : vector<32x1xi32> to vector<32x1xf32>
    %mul3A_465 = arith.mulf %add3A_370, %convert_element_type3A_464 : vector<32x1xf32>
    %mul3A_466 = arith.mulf %mul3A_465, %broadcast_in_dim3A_462 : vector<32x1xf32>
    %reduce_sum3A_467 = vector.shape_cast %mul3A_466 : vector<32x1xf32> to vector<1x32x1xf32>
    %reduce_sum3A_468 = arith.constant dense<0.000000e+00> : vector<1xf32>
    %reduce_sum3A_469 = vector.multi_reduction <add>, %reduce_sum3A_467, %reduce_sum3A_468 [1, 2] : vector<1x32x1xf32> to vector<1xf32>
    %reduce_sum3A_470 = vector.shape_cast %reduce_sum3A_469 : vector<1xf32> to vector<1x1x1xf32>
    %reduce_sum3A_471 = vector.extract %reduce_sum3A_470[0, 0, 0] : f32 from vector<1x1x1xf32>
    %mul3A_472 = arith.constant 2.000000e+00 : f32
    %mul3A_473 = arith.mulf %mul3A_472, %reduce_sum3A_471 : f32
    %add3A_474 = arith.addf %mul3A_435, %mul3A_473 : f32
    %slice3A_475 = vector.extract_strided_slice %get3A_13 {offsets = [0, 0], sizes = [32, 1], strides = [1, 1]} : vector<32x4xi32> to vector<32x1xi32>
    %reduce_max3A_476 = arith.constant dense<0xFF800000> : vector<32xf32>
    %reduce_max3A_477 = vector.multi_reduction <maximumf>, %slice3A_382, %reduce_max3A_476 [1] : vector<32x120xf32> to vector<32xf32>
    %broadcast_in_dim3A_478 = vector.shape_cast %reduce_max3A_477 : vector<32xf32> to vector<32x1xf32>
    %sub3A_479 = vector.broadcast %broadcast_in_dim3A_478 : vector<32x1xf32> to vector<32x120xf32>
    %sub3A_480 = arith.subf %slice3A_382, %sub3A_479 : vector<32x120xf32>
    %exp3A_481 = math.exp %sub3A_480 : vector<32x120xf32>
    %reduce_sum3A_482 = arith.constant dense<0.000000e+00> : vector<32xf32>
    %reduce_sum3A_483 = vector.multi_reduction <add>, %exp3A_481, %reduce_sum3A_482 [1] : vector<32x120xf32> to vector<32xf32>
    %broadcast_in_dim3A_484 = vector.shape_cast %reduce_sum3A_483 : vector<32xf32> to vector<32x1xf32>
    %log3A_485 = math.log %broadcast_in_dim3A_484 : vector<32x1xf32>
    %add3A_486 = arith.addf %broadcast_in_dim3A_478, %log3A_485 : vector<32x1xf32>
    %iota3A_487 = tpu.iota {dimensions = array<i32: 1>} : vector<32x120xi32>
    %eq3A_488 = vector.broadcast %slice3A_475 : vector<32x1xi32> to vector<32x120xi32>
    %eq3A_489 = arith.cmpi eq, %iota3A_487, %eq3A_488 : vector<32x120xi32>
    %jit3A_490 = arith.constant 0.000000e+00 : f32
    %broadcast_in_dim3A_491 = vector.broadcast %jit3A_490 : f32 to vector<32x120xf32>
    %select_n3A_492 = arith.select %eq3A_489, %slice3A_382, %broadcast_in_dim3A_491 : vector<32x120xi1>, vector<32x120xf32>
    %reduce_sum3A_493 = arith.constant dense<0.000000e+00> : vector<32xf32>
    %reduce_sum3A_494 = vector.multi_reduction <add>, %select_n3A_492, %reduce_sum3A_493 [1] : vector<32x120xf32> to vector<32xf32>
    %broadcast_in_dim3A_495 = vector.shape_cast %reduce_sum3A_494 : vector<32xf32> to vector<32x1xf32>
    %ne3A_496 = arith.constant -100 : i32
    %ne3A_497 = vector.broadcast %ne3A_496 : i32 to vector<32x1xi32>
    %ne3A_498 = arith.cmpi ne, %slice3A_475, %ne3A_497 : vector<32x1xi32>
    %sub3A_499 = arith.subf %add3A_486, %broadcast_in_dim3A_495 : vector<32x1xf32>
    %jit3A_500 = arith.constant 0.000000e+00 : f32
    %broadcast_in_dim3A_501 = vector.broadcast %jit3A_500 : f32 to vector<32x1xf32>
    %select_n3A_502 = arith.select %ne3A_498, %sub3A_499, %broadcast_in_dim3A_501 : vector<32x1xi1>, vector<32x1xf32>
    %slice3A_503 = vector.extract_strided_slice %get3A_13 {offsets = [0, 1], sizes = [32, 1], strides = [1, 1]} : vector<32x4xi32> to vector<32x1xi32>
    %reduce_max3A_504 = arith.constant dense<0xFF800000> : vector<32xf32>
    %reduce_max3A_505 = vector.multi_reduction <maximumf>, %slice3A_383, %reduce_max3A_504 [1] : vector<32x8xf32> to vector<32xf32>
    %broadcast_in_dim3A_506 = vector.shape_cast %reduce_max3A_505 : vector<32xf32> to vector<32x1xf32>
    %sub3A_507 = vector.broadcast %broadcast_in_dim3A_506 : vector<32x1xf32> to vector<32x8xf32>
    %sub3A_508 = arith.subf %slice3A_383, %sub3A_507 : vector<32x8xf32>
    %exp3A_509 = math.exp %sub3A_508 : vector<32x8xf32>
    %reduce_sum3A_510 = arith.constant dense<0.000000e+00> : vector<32xf32>
    %reduce_sum3A_511 = vector.multi_reduction <add>, %exp3A_509, %reduce_sum3A_510 [1] : vector<32x8xf32> to vector<32xf32>
    %broadcast_in_dim3A_512 = vector.shape_cast %reduce_sum3A_511 : vector<32xf32> to vector<32x1xf32>
    %log3A_513 = math.log %broadcast_in_dim3A_512 : vector<32x1xf32>
    %add3A_514 = arith.addf %broadcast_in_dim3A_506, %log3A_513 : vector<32x1xf32>
    %iota3A_515 = tpu.iota {dimensions = array<i32: 1>} : vector<32x8xi32>
    %eq3A_516 = vector.broadcast %slice3A_503 : vector<32x1xi32> to vector<32x8xi32>
    %eq3A_517 = arith.cmpi eq, %iota3A_515, %eq3A_516 : vector<32x8xi32>
    %jit3A_518 = arith.constant 0.000000e+00 : f32
    %broadcast_in_dim3A_519 = vector.broadcast %jit3A_518 : f32 to vector<32x8xf32>
    %select_n3A_520 = arith.select %eq3A_517, %slice3A_383, %broadcast_in_dim3A_519 : vector<32x8xi1>, vector<32x8xf32>
    %reduce_sum3A_521 = arith.constant dense<0.000000e+00> : vector<32xf32>
    %reduce_sum3A_522 = vector.multi_reduction <add>, %select_n3A_520, %reduce_sum3A_521 [1] : vector<32x8xf32> to vector<32xf32>
    %broadcast_in_dim3A_523 = vector.shape_cast %reduce_sum3A_522 : vector<32xf32> to vector<32x1xf32>
    %ne3A_524 = arith.constant -100 : i32
    %ne3A_525 = vector.broadcast %ne3A_524 : i32 to vector<32x1xi32>
    %ne3A_526 = arith.cmpi ne, %slice3A_503, %ne3A_525 : vector<32x1xi32>
    %sub3A_527 = arith.subf %add3A_514, %broadcast_in_dim3A_523 : vector<32x1xf32>
    %jit3A_528 = arith.constant 0.000000e+00 : f32
    %broadcast_in_dim3A_529 = vector.broadcast %jit3A_528 : f32 to vector<32x1xf32>
    %select_n3A_530 = arith.select %ne3A_526, %sub3A_527, %broadcast_in_dim3A_529 : vector<32x1xi1>, vector<32x1xf32>
    %add3A_531 = arith.addf %select_n3A_502, %select_n3A_530 : vector<32x1xf32>
    %slice3A_532 = vector.extract_strided_slice %get3A_13 {offsets = [0, 2], sizes = [32, 1], strides = [1, 1]} : vector<32x4xi32> to vector<32x1xi32>
    %reduce_max3A_533 = arith.constant dense<0xFF800000> : vector<32xf32>
    %reduce_max3A_534 = vector.multi_reduction <maximumf>, %slice3A_384, %reduce_max3A_533 [1] : vector<32x16xf32> to vector<32xf32>
    %broadcast_in_dim3A_535 = vector.shape_cast %reduce_max3A_534 : vector<32xf32> to vector<32x1xf32>
    %sub3A_536 = vector.broadcast %broadcast_in_dim3A_535 : vector<32x1xf32> to vector<32x16xf32>
    %sub3A_537 = arith.subf %slice3A_384, %sub3A_536 : vector<32x16xf32>
    %exp3A_538 = math.exp %sub3A_537 : vector<32x16xf32>
    %reduce_sum3A_539 = arith.constant dense<0.000000e+00> : vector<32xf32>
    %reduce_sum3A_540 = vector.multi_reduction <add>, %exp3A_538, %reduce_sum3A_539 [1] : vector<32x16xf32> to vector<32xf32>
    %broadcast_in_dim3A_541 = vector.shape_cast %reduce_sum3A_540 : vector<32xf32> to vector<32x1xf32>
    %log3A_542 = math.log %broadcast_in_dim3A_541 : vector<32x1xf32>
    %add3A_543 = arith.addf %broadcast_in_dim3A_535, %log3A_542 : vector<32x1xf32>
    %iota3A_544 = tpu.iota {dimensions = array<i32: 1>} : vector<32x16xi32>
    %eq3A_545 = vector.broadcast %slice3A_532 : vector<32x1xi32> to vector<32x16xi32>
    %eq3A_546 = arith.cmpi eq, %iota3A_544, %eq3A_545 : vector<32x16xi32>
    %jit3A_547 = arith.constant 0.000000e+00 : f32
    %broadcast_in_dim3A_548 = vector.broadcast %jit3A_547 : f32 to vector<32x16xf32>
    %select_n3A_549 = arith.select %eq3A_546, %slice3A_384, %broadcast_in_dim3A_548 : vector<32x16xi1>, vector<32x16xf32>
    %reduce_sum3A_550 = arith.constant dense<0.000000e+00> : vector<32xf32>
    %reduce_sum3A_551 = vector.multi_reduction <add>, %select_n3A_549, %reduce_sum3A_550 [1] : vector<32x16xf32> to vector<32xf32>
    %broadcast_in_dim3A_552 = vector.shape_cast %reduce_sum3A_551 : vector<32xf32> to vector<32x1xf32>
    %ne3A_553 = arith.constant -100 : i32
    %ne3A_554 = vector.broadcast %ne3A_553 : i32 to vector<32x1xi32>
    %ne3A_555 = arith.cmpi ne, %slice3A_532, %ne3A_554 : vector<32x1xi32>
    %sub3A_556 = arith.subf %add3A_543, %broadcast_in_dim3A_552 : vector<32x1xf32>
    %jit3A_557 = arith.constant 0.000000e+00 : f32
    %broadcast_in_dim3A_558 = vector.broadcast %jit3A_557 : f32 to vector<32x1xf32>
    %select_n3A_559 = arith.select %ne3A_555, %sub3A_556, %broadcast_in_dim3A_558 : vector<32x1xi1>, vector<32x1xf32>
    %add3A_560 = arith.addf %add3A_531, %select_n3A_559 : vector<32x1xf32>
    %mul3A_561 = arith.mulf %add3A_370, %add3A_560 : vector<32x1xf32>
    %reduce_sum3A_562 = vector.shape_cast %mul3A_561 : vector<32x1xf32> to vector<1x32x1xf32>
    %reduce_sum3A_563 = arith.constant dense<0.000000e+00> : vector<1xf32>
    %reduce_sum3A_564 = vector.multi_reduction <add>, %reduce_sum3A_562, %reduce_sum3A_563 [1, 2] : vector<1x32x1xf32> to vector<1xf32>
    %reduce_sum3A_565 = vector.shape_cast %reduce_sum3A_564 : vector<1xf32> to vector<1x1x1xf32>
    %reduce_sum3A_566 = vector.extract %reduce_sum3A_565[0, 0, 0] : f32 from vector<1x1x1xf32>
    %mul3A_567 = arith.constant 1.000000e+00 : f32
    %mul3A_568 = arith.mulf %mul3A_567, %reduce_sum3A_566 : f32
    %add3A_569 = arith.addf %add3A_474, %mul3A_568 : f32
    %get3A_570 = arith.constant 0 : index
    %get3A_571 = arith.constant 0 : index
    %get3A_572 = vector.load %arg5[%get3A_570, %get3A_571] : memref<100x128xf32, #tpu.memory_space<vmem>>, vector<100x128xf32>
    %max3A_573 = arith.constant 0.000000e+00 : f32
    %max3A_574 = vector.broadcast %max3A_573 : f32 to vector<100x128xf32>
    %max3A_575 = arith.maximumf %get3A_572, %max3A_574 : vector<100x128xf32>
    %abs3A_576 = math.absf %get3A_572 : vector<100x128xf32>
    %neg3A_577 = arith.constant 0.000000e+00 : f32
    %neg3A_578 = vector.broadcast %neg3A_577 : f32 to vector<100x128xf32>
    %neg3A_579 = arith.subf %neg3A_578, %abs3A_576 : vector<100x128xf32>
    %exp3A_580 = math.exp %neg3A_579 : vector<100x128xf32>
    %add3A_581 = arith.constant 1.000000e+00 : f32
    %add3A_582 = vector.broadcast %add3A_581 : f32 to vector<100x128xf32>
    %add3A_583 = arith.addf %add3A_582, %exp3A_580 : vector<100x128xf32>
    %log3A_584 = math.log %add3A_583 : vector<100x128xf32>
    %add3A_585 = arith.addf %max3A_575, %log3A_584 : vector<100x128xf32>
    %reduce_sum3A_586 = vector.shape_cast %add3A_585 : vector<100x128xf32> to vector<1x100x128xf32>
    %reduce_sum3A_587 = arith.constant dense<0.000000e+00> : vector<1xf32>
    %reduce_sum3A_588 = vector.multi_reduction <add>, %reduce_sum3A_586, %reduce_sum3A_587 [1, 2] : vector<1x100x128xf32> to vector<1xf32>
    %reduce_sum3A_589 = vector.shape_cast %reduce_sum3A_588 : vector<1xf32> to vector<1x1x1xf32>
    %reduce_sum3A_590 = vector.extract %reduce_sum3A_589[0, 0, 0] : f32 from vector<1x1x1xf32>
    %mul3A_591 = arith.mulf %add3A_370, %slice3A_379 : vector<32x1xf32>
    %reduce_sum3A_592 = vector.shape_cast %mul3A_591 : vector<32x1xf32> to vector<1x32x1xf32>
    %reduce_sum3A_593 = arith.constant dense<0.000000e+00> : vector<1xf32>
    %reduce_sum3A_594 = vector.multi_reduction <add>, %reduce_sum3A_592, %reduce_sum3A_593 [1, 2] : vector<1x32x1xf32> to vector<1xf32>
    %reduce_sum3A_595 = vector.shape_cast %reduce_sum3A_594 : vector<1xf32> to vector<1x1x1xf32>
    %reduce_sum3A_596 = vector.extract %reduce_sum3A_595[0, 0, 0] : f32 from vector<1x1x1xf32>
    %neg3A_597 = arith.constant 0.000000e+00 : f32
    %neg3A_598 = arith.subf %neg3A_597, %reduce_sum3A_596 : f32
    %add3A_599 = arith.addf %reduce_sum3A_590, %neg3A_598 : f32
    %mul3A_600 = arith.constant 1.000000e+00 : f32
    %mul3A_601 = arith.mulf %mul3A_600, %add3A_599 : f32
    %add3A_602 = arith.addf %add3A_569, %mul3A_601 : f32
    %max3A_603 = arith.constant 1.000000e+00 : f32
    %max3A_604 = arith.maximumf %reduce_sum3A_375, %max3A_603 : f32
    %div3A_605 = arith.divf %add3A_602, %max3A_604 : f32
    %swap3A = arith.constant 0 : index
    %swap3A_606 = arith.constant 0 : index
    %swap3A_607 = memref.load %arg6[%swap3A, %swap3A_606] : memref<1x1xf32, #tpu.memory_space<smem>>
    memref.store %div3A_605, %arg6[%swap3A, %swap3A_606] : memref<1x1xf32, #tpu.memory_space<smem>>
    return
  }
}

</mosaic_0001>

<sc_bundles>
// kernel: kernel.4.cloned.1.call-start
scs
__scs_entry_jumppad:
0x0: {  	(pc) =	sbr.rel $0x88, $3  }
0x1: {  	(tag) =	ssettag $0x0;
	lr =	simm.s32 $0x1  }
0x2: {  	[smem:$0x3F99] =	sst lr;
	_ =	strace $0xD0000000  }
0x3: {  	_ = 	snop  }
0x4: {  	_ = 	snop  }
0x5: {  	_ = 	snop  }
0x6: {  	_ = 	snop  }
0x7: {  	_ = 	snop  }
__scs_overlays_trampoline_lowered:
0x8: {  	[smem:$0x3FA8] =	sst s0  }
0x9: {  	[smem:$0x3FA9] =	sst s1  }
0xa: {  	[smem:$0x3FAA] =	sst s2  }
0xb: {  	[smem:$0x3FAB] =	sst s3  }
0xc: {  	[smem:$0x3FAC] =	sst s4  }
0xd: {  	[smem:$0x3FAD] =	sst s5  }
0xe: {  	[smem:$0x3FAE] =	sst s6  }
0xf: {  	[smem:$0x3FAF] =	sst s7  }
0x10: {  	[smem:$0x3FB0] =	sst s8  }
0x11: {  	[smem:$0x3FB1] =	sst s9;
	s0 =	simm.s32 @!p0 $0x0  }
0x12: {  	s1 =	sld [smem:$0x3F97];
	s0 =	simm.s32 @p0 $0x1  }
0x13: {  	[smem:$0x3FB2] =	sst s0;
	s0 =	simm.s32 @!p1 $0x0  }
0x14: {  	s2 =	sld [smem:$0x3F96];
	s0 =	simm.s32 @p1 $0x1  }
0x15: {  	[smem:$0x3FB3] =	sst s0;
	s0 =	simm.s32 @!p2 $0x0  }
0x16: {  	s3 =	sld [smem:$0x3FDB];
	s0 =	simm.s32 @p2 $0x1  }
0x17: {  	s4 =	simm.s32 $0x1BF5;
	[smem:$0x3FB5] =	sst s0  }
0x18: {  	s0 =	sld [smem:$0x3F98];
	_ =	swait.ge [sflag:s4], $0x0  }
0x19: {  	s7 =	sld [smem:$0x3F99]  }
0x1a: {  	s8 =	sadd.s32 $0xFFFFE003, lr  }
0x1b: {  	s9 =	sadd.s32 $0xFFFFFEF7, lr;
	s5 =	simm.s32 $0xFFFFFFFF;
	p2 =	slt.u32 s8, $0xFFFFF086  }
0x1c: {  	p1 =	slt.u32 s9, $0xF7A;
	s5 =	simm.s32 @!p2 $0x0  }
0x1d: {  	s5 =	simm.s32 @p1 $0x1;
	p0 =	seq.s32 s7, s2  }
0x1e: {  	s7 =	smul.u32 @!p0 $0xF7A, s2;
	p2 =	seq.s32 @!p0 s5, $0x0  }
0x1f: {  	s9 =	smul.u32 $0xF7A, s1;
	s8 =	simm.s32 @!p0 $0x1BF5;
	p2 =	por !p2, p0  }
0x20: {  	[sflag:s8] =	ssyncset.s32 @!p0 $0xFFFFF086;
	s6 =	sadd.s32 @!p0 s3, s7;
	s7 =	simm.s32 @!p0 $0x108  }
0x21: {  	s3 =	sadd.s32 s3, s9;
	s6 =	sadd.s32 @!p0 $0x88, s6;
	s7 =	simm.s32 @p2 $0x1082  }
0x22: {  	[simem:s7], [sflag:s8] =	dma.local @!p0 [hbm:s6], $0xF7A  }
0x23: {  	s9 =	sor.u32 $0xD0000000, s2;
	s6 =	simm.s32 $0x108;
	_ =	swait.ge @!p0 [sflag:s8], $0x0  }
0x24: {  	s3 =	sadd.s32 $0x88, s3;
	s6 =	simm.s32 @!p1 $0x1082;
	[sflag:s4] =	ssyncset.s32 $0xFFFFF086  }
0x25: {  	[simem:s6], [sflag:s4] =	dma.local [hbm:s3], $0xF7A  }
0x26: {  	[smem:$0x3F99] =	sst s1;
	(tag) =	ssettag s2;
	_ =	strace s9  }
0x27: {  	s1 =	sld [smem:$0x3FA9]  }
0x28: {  	s2 =	sld [smem:$0x3FAA]  }
0x29: {  	s4 =	sld [smem:$0x3FAC]  }
0x2a: {  	p0 =	seq.s32 s5, $0x0;
	s5 =	sld [smem:$0x3FAD]  }
0x2b: {  	s6 =	sld [smem:$0x3FAE]  }
0x2c: {  	s7 =	sld [smem:$0x3FAF]  }
0x2d: {  	s3 =	simm.s32 $0x108;
	s8 =	sld [smem:$0x3FB0]  }
0x2e: {  	s3 =	simm.s32 @!p0 $0x1082;
	s9 =	sld [smem:$0x3FB1]  }
0x2f: {  	lr =	sadd.s32 s0, s3;
	s0 =	sld [smem:$0x3FA8]  }
0x30: {  	s3 =	sld [smem:$0x3FAB]  }
0x31: {  	[smem:$0x3FB4] =	sst s10  }
0x32: {  	s10 =	sld [smem:$0x3FB2];
	_ =	sdelay $0x3  }
0x33: {  	p0 =	seq.s32 s10, $0x1;
	s10 =	sld [smem:$0x3FB4];
	_ =	sdelay $0x3  }
0x34: {  	[smem:$0x3FB4] =	sst s10  }
0x35: {  	s10 =	sld [smem:$0x3FB3];
	_ =	sdelay $0x3  }
0x36: {  	p1 =	seq.s32 s10, $0x1;
	s10 =	sld [smem:$0x3FB4];
	_ =	sdelay $0x3  }
0x37: {  	[smem:$0x3FB4] =	sst s10  }
0x38: {  	s10 =	sld [smem:$0x3FB5]  }
0x39: {  	_ = 	snop;
	(pc) =	sbr.ind lr, $3  }
0x3a: {  	_ = 	snop  }
0x3b: {  	_ = 	snop  }
0x3c: {  	p2 =	seq.s32 s10, $0x1;
	s10 =	sld [smem:$0x3FB4]  }
0x3d: {  	_ =	shalt  }
0x3e: {  	_ =	shalt  }
0x3f: {  	_ =	shalt  }
0x40: {  	_ =	shalt  }
0x41: {  	_ =	shalt  }
0x42: {  	_ =	shalt  }
0x43: {  	_ =	shalt  }
0x44: {  	_ =	shalt  }
0x45: {  	_ =	shalt  }
0x46: {  	_ =	shalt  }
0x47: {  	_ =	shalt  }
0x48: {  	_ =	shalt  }
0x49: {  	_ =	shalt  }
0x4a: {  	_ =	shalt  }
0x4b: {  	_ =	shalt  }
0x4c: {  	_ =	shalt  }
0x4d: {  	_ =	shalt  }
0x4e: {  	_ =	shalt  }
0x4f: {  	_ =	shalt  }
0x50: {  	_ =	shalt  }
0x51: {  	_ =	shalt  }
0x52: {  	_ =	shalt  }
0x53: {  	_ =	shalt  }
0x54: {  	_ =	shalt  }
0x55: {  	_ =	shalt  }
0x56: {  	_ =	shalt  }
0x57: {  	_ =	shalt  }
0x58: {  	_ =	shalt  }
0x59: {  	_ =	shalt  }
0x5a: {  	_ =	shalt  }
0x5b: {  	_ =	shalt  }
0x5c: {  	_ =	shalt  }
0x5d: {  	_ =	shalt  }
0x5e: {  	_ =	shalt  }
0x5f: {  	_ =	shalt  }
0x60: {  	_ =	shalt  }
0x61: {  	_ =	shalt  }
0x62: {  	_ =	shalt  }
0x63: {  	_ =	shalt  }
0x64: {  	_ =	shalt  }
0x65: {  	_ =	shalt  }
0x66: {  	_ =	shalt  }
0x67: {  	_ =	shalt  }
0x68: {  	_ =	shalt  }
0x69: {  	_ =	shalt  }
0x6a: {  	_ =	shalt  }
0x6b: {  	_ =	shalt  }
0x6c: {  	_ =	shalt  }
0x6d: {  	_ =	shalt  }
0x6e: {  	_ =	shalt  }
0x6f: {  	_ =	shalt  }
0x70: {  	_ =	shalt  }
0x71: {  	_ =	shalt  }
0x72: {  	_ =	shalt  }
0x73: {  	_ =	shalt  }
0x74: {  	_ =	shalt  }
0x75: {  	_ =	shalt  }
0x76: {  	_ =	shalt  }
0x77: {  	_ =	shalt  }
0x78: {  	_ =	shalt  }
0x79: {  	_ =	shalt  }
0x7a: {  	_ =	shalt  }
0x7b: {  	_ =	shalt  }
0x7c: {  	_ =	shalt  }
0x7d: {  	_ =	shalt  }
0x7e: {  	_ =	shalt  }
0x7f: {  	_ =	shalt  }
0x80: {  	_ =	shalt  }
0x81: {  	_ =	shalt  }
0x82: {  	_ =	shalt  }
0x83: {  	_ =	shalt  }
0x84: {  	_ =	shalt  }
0x85: {  	_ =	shalt  }
0x86: {  	_ =	shalt  }
0x87: {  	_ =	shalt  }
.Lfunc_end0:
.L_simem_size_0:
called_computation_lowered:
.L_overlay_start_0:
0x88: {  	s2 =	sld [smem:$0x3FD9]  }
0x89: {  	s3 =	sld [smem:$0x3FFE];
	_ =	sdelay $0x1  }
0x8a: {  	s1 =	srdreg.scid  }
0x8b: {  	s0 =	sand.u32 $0x1, s1  }
0x8c: {  	s17 =	sshll.u32 s0, $0xA;
	s2 =	sadd.s32 s3, s2  }
0x8d: {  	s2 =	sadd.s32 s2, s17  }
0x8e: {  	[smem:$0x3FC0] =	sst s2  }
0x8f: {  	_ = 	snop  }
0x90: {  	s2 =	sld [smem:$0x3FD0];
	(tm) =	ssettm $0x1  }
0x91: {  	s18 =	sld [smem:$0x3FFB];
	_ =	sdelay $0x3  }
0x92: {  	_ =	strace s18  }
0x93: {  	s3 =	sld [smem:$0x3FFC];
	_ =	sdelay $0x3  }
0x94: {  	_ =	strace s3  }
0x95: {  	s3 =	sld [smem:$0x3FFD];
	_ =	sdelay $0x3  }
0x96: {  	_ =	strace s3  }
0x97: {  	_ =	strace $0x8FFFFFFF  }
0x98: {  	s19 =	sld [smem:$0x3FDB];
	_ =	sdelay $0x1  }
0x99: {  	s4 =	simm.s32 $_scs_section_size  }
0x9a: {  	s5 =	simm.s32 $_size__tile_overlayer_lowered;
	s6 =	simm.s32 $_tile_overlayer_lowered  }
0x9b: {  	s22 =	simm.s32 $0x1BFF;
	s21 =	sshll.u32 s6, $0x1;
	s3 =	sadd.s32 s4, s19  }
0x9c: {  	s7 =	simm.s32 $0x0;
	s20 =	sshll.u32 s5, $0x1;
	s5 =	sadd.s32 s21, s3  }
0x9d: {  	[timem:s7], [sflag:s22] =	dma.local [hbm:s5], s20  }
0x9e: {  	_ =	swait.ge [sflag:s22], s20  }
0x9f: {  	s4 =	ssub.s32 $0x0, s20;
	[sflag:s22] =	ssyncset.done $0x0  }
0xa0: {  	[sflag:s22] =	ssyncadd.s32 s4;
	_ =	sdelay $0x1  }
0xa1: {  	s23 =	simm.s32 $0x1B8B  }
0xa2: {  	_ =	swait.ge [sflag:s23], $0x1  }
0xa3: {  	[sflag:s23] =	ssyncset.done $0x0  }
0xa4: {  	s25 =	simm.s32 $0x1B8E;
	s24 =	sld [smem:$0x3FFE];
	[sflag:s23] =	ssyncadd.s32 $0xFFFFFFFF  }
0xa5: {  	s26 =	simm.s32 $execute0_lowered;
	[smem:$0x3FD2] =	sst s25  }
0xa6: {  	s5 =	sshll.u32 s26, $0x1;
	_ =	strace $0x80000046;
	[dreg:$0x1] =	wrdreg $0xFFFFFFFF  }
0xa7: {  	s28 =	simm.s32 $_size_execute0_lowered;
	s3 =	sadd.s32 s3, s5;
	[dreg:$0x0] =	wrdreg $0x0  }
0xa8: {  	s5 =	sshll.u32 s28, $0x1;
	[dreg:$0x2] =	wrdreg s3  }
0xa9: {  	[dreg:$0x3] =	wrdreg s5  }
0xaa: {  	[dreg:$0x4] =	wrdreg $0xC0  }
0xab: {  	_ =	task [dreg:s7], $0x5FFFF  }
0xac: {  	[dreg:$0x1] =	wrdreg $0xFFFFFFFF  }
0xad: {  	[dreg:$0x0] =	wrdreg $0x60  }
0xae: {  	[dreg:$0x2] =	wrdreg s24  }
0xaf: {  	[dreg:$0x3] =	wrdreg s2  }
0xb0: {  	[dreg:$0x4] =	wrdreg $0x9  }
0xb1: {  	_ =	task.clear_ibuf [dreg:s7], $0x5FFFF;
	_ =	strace $0x90000046  }
0xb2: {  	s29 =	simm.s32 $0x9;
	_ =	strace $0x80000048  }
0xb3: {  	_ =	swait.ge [sflag:s29], $0x1  }
0xb4: {  	[sflag:s29] =	ssyncadd.s32 $0xFFFFFFFF  }
0xb5: {  	_ =	strace $0x90000048  }
0xb6: {  	_ =	sfence  }
0xb7: {  	s30 =	sld [smem:$0x0];
	_ =	sdelay $0x2  }
0xb8: {  	s31 =	sshll.u32 s1, $0xD;
	s1 =	sshrl.u32 s1, $0x2  }
0xb9: {  	s3 =	sand.u32 $0x4000, s31;
	s1 =	sadd.s32 s1, s30  }
0xba: {  	s0 =	sor.u32 s3, s0;
	s1 =	sshll.u32 s1, $0x11  }
0xbb: {  	s0 =	sor.u32 s1, s0  }
0xbc: {  	s0 =	sadd.s32 $0x8F2B, s0  }
0xbd: {  	[sflag:s0] =	ssyncadd.remote.s32 $0x1  }
0xbe: {  	_ =	sfence.sel $0xFFFF  }
0xbf: {  	[dreg:$0x0] =	wrdreg $0xFFFFFFFF;
	(pc) =	sbr.abs _section_cstart, $3  }
0xc0: {  	[dreg:$0x1] =	wrdreg $0xFFFFFFFF  }
0xc1: {  	_ =	task.clear_ibuf [dreg:s7], $0x2FFFF;
	_ =	strace $0x9FFFFFFF  }
0xc2: {  	(tm) =	ssettm $0x7FFFFFFF  }
0xc3: {  	_ =	shalt  }
tec
execute0_lowered:
.L_overlay_start_1:
0x0: {  	(tag) =	ssettag $0x1  }
0x1: {  	s4 =	rddreg [dreg:$0x0]  }
0x2: {  	s2 =	rddreg [dreg:$0x1]  }
0x3: {  	[dreg:$0x3] =	wrdreg s2;
	s2 =	simm.s32 $0x0  }
0x4: {  	s0 =	stileid.u32;
	s6 =	sadd.s32 $0x3D400, s4;
	[smem:$0x7FF] =	sst s2  }
0x5: {  	s26 =	simm.s32 $0x80;
	_ =	strace $0x80000047;
	[dreg:$0x4] =	wrdreg s6  }
0x6: {  	s3 =	sshll.u32 s0, $0x1;
	s0 =	simm.s32 $0x110;
	[dreg:$0x7] =	wrdreg s26  }
0x7: {  	s8 =	simm.s32 $0x140;
	[dreg:$0x8] =	wrdreg s0  }
0x8: {  	s9 =	simm.s32 $0x150;
	[dreg:$0xb] =	wrdreg s8  }
0x9: {  	s10 =	simm.s32 $0x160;
	[dreg:$0xc] =	wrdreg s9  }
0xa: {  	s1 =	srdreg.scid;
	v0 =	vimm.f32 $4.000000000e+01;
	s11 =	simm.s32 $0x170;
	[dreg:$0xd] =	wrdreg s10  }
0xb: {  	s12 =	simm.s32 $0x180;
	s1 =	sand.u32 $0x1, s1;
	[dreg:$0xe] =	wrdreg s11;
	(erf) = vrcp.f32 v0  }
0xc: {  	s13 =	simm.s32 $0x190;
	s5 =	sor.u32 s1, s3;
	[dreg:$0xf] =	wrdreg s12  }
0xd: {  	s15 =	simm.s32 $0x210;
	s3 =	smul.u32 $0x14, s5;
	[dreg:$0x10] =	wrdreg s13  }
0xe: {  	s24 =	smul.u32 $0x190, s5;
	[dreg:$0x11] =	wrdreg s15  }
0xf: {  	s6 =	simm.s32 $0x120;
	s14 =	rddreg [dreg:$0x3];
	s3 =	sadd.s32 s3, s4  }
0x10: {  	[tilespmem:s2], [sflag:$0x2] =	stream.linear.gather [hbm4b:s14+s2], $0x80, $0x38;
	[tilespmem:$0x400] =	vst v63  }
0x11: {  	[dreg:$0x9] =	wrdreg s6;
	s7 =	sshrl.u32 s24, $0x3;
	s3 =	sadd.s32 $0x3D600, s3  }
0x12: {  	s23 =	sadd.s32 s7, s4;
	s7 =	simm.s32 $0x130;
	[dreg:$0x5] =	wrdreg s3  }
0x13: {  	s25 =	sadd.s32 $0x3DA00, s23;
	[dreg:$0xa] =	wrdreg s7  }
0x14: {  	s3 =	simm.s32 $0x2;
	[dreg:$0x6] =	wrdreg s25;
	v0 =	vpop (erf)  }
0x15: {  	_ =	swait.ge [sflag:s3], $0x80  }
0x16: {  	s16 =	rddreg [dreg:$0x4];
	[sflag:s3] =	ssyncset.done $0x0  }
0x17: {  	s17 =	rddreg [dreg:$0x7];
	[sflag:s3] =	ssyncadd.s32 $0xFFFFFF80  }
0x18: {  	[tilespmem:s17], [sflag:$0x2] =	stream.linear.gather [hbm4b:s16+s2], $0x80, $0x38;
	[tilespmem:$0x400] =	vst v63  }
0x19: {  	_ =	swait.ge [sflag:s3], $0x80  }
0x1a: {  	[sflag:s3] =	ssyncset.done $0x0  }
0x1b: {  	[sflag:s3] =	ssyncadd.s32 $0xFFFFFF80  }
0x1c: {  	v1 =	vld [tilespmem:$0x60]  }
0x1d: {  	v2 =	vld [tilespmem:$0x20]  }
0x1e: {  	v3 =	vld [tilespmem:$0x0]  }
0x1f: {  	v4 =	vld [tilespmem:$0x30]  }
0x20: {  	v5 =	vld [tilespmem:$0x80]  }
0x21: {  	v6 =	vld [tilespmem:$0x40]  }
0x22: {  	v7 =	vld [tilespmem:$0x50]  }
0x23: {  	v8 =	vld [tilespmem:$0x10]  }
0x24: {  	v9 =	vld [tilespmem:$0x70];
	_ =	sdelay $0x1  }
0x25: {  	v10 =	vmov s5  }
0x26: {  	v10 =	vshrl.u32 v10, $0x4;
	v11 =	vmul.f32 v5, v0;
	v12 =	vmax.f32 v3, v2  }
0x27: {  	v13 =	vmax.f32 v6, v1;
	v14 =	vmul.f32 v2, v5;
	v15 =	vmax.f32 v8, v4  }
0x28: {  	v16 =	vmax.f32 v7, v9;
	v17 =	vmul.f32 v3, v5;
	(erf) = vrcp.f32 v11  }
0x29: {  	v18 =	vmul.f32 v8, v5;
	v12 =	vmax.f32 v12, v13;
	v13 =	vmul.f32 v6, v5  }
0x2a: {  	v15 =	vmax.f32 v15, v16;
	v16 =	vmul.f32 v4, v5;
	v11 =	vmul.f32 v1, v5  }
0x2b: {  	vm0 =	vle.f32 v12, $1.500000000e+00;
	v12 =	vmul.f32 v7, v5;
	v5 =	vmul.f32 v9, v5  }
0x2c: {  	vm1 =	vle.f32 v15, $1.500000000e+00;
	v2 =	vsel vm0, v14, v2;
	v1 =	vsel vm0, v11, v1  }
0x2d: {  	v6 =	vsel vm0, v13, v6;
	v5 =	vsel vm1, v5, v9;
	v1 =	vadd.f32 v1, v2  }
0x2e: {  	v2 =	vsel vm1, v16, v4;
	v4 =	vsel vm1, v12, v7;
	v7 =	vsel vm1, v18, v8  }
0x2f: {  	v3 =	vsel vm0, v17, v3;
	v2 =	vadd.f32 v5, v2;
	v4 =	vadd.f32 v4, v7  }
0x30: {  	v3 =	vadd.f32 v6, v3;
	v5 =	vbroadcast v10, $0x0;
	v1 =	vmul.f32 $5.000000000e-01, v1  }
0x31: {  	v2 =	vmul.f32 $5.000000000e-01, v2;
	v4 =	vmul.f32 $5.000000000e-01, v4;
	v6 =	vpop (erf)  }
0x32: {  	v3 =	vmul.f32 $5.000000000e-01, v3;
	v1 =	vmul.f32 v1, v6  }
0x33: {  	v2 =	vmul.f32 v2, v6;
	v4 =	vmul.f32 v4, v6  }
0x34: {  	v3 =	vmul.f32 v3, v6;
	v8 =	vtrunc.f32 v1  }
0x35: {  	v7 =	vxor.u32 $0x1, v5;
	v2 =	vtrunc.f32 v2;
	v4 =	vtrunc.f32 v4  }
0x36: {  	v1 =	vmul.u32 $0x99, v7;
	v7 =	vcvt.f32.s32 v8;
	v2 =	vcvt.f32.s32 v2  }
0x37: {  	v15 =	vlaneseq.u32;
	v3 =	vtrunc.f32 v3;
	v4 =	vcvt.f32.s32 v4  }
0x38: {  	v3 =	vcvt.f32.s32 v3;
	vm0 =	vgt.s32 v7, $0x0;
	vm1 =	vgt.s32 v2, $0x0  }
0x39: {  	v6 =	vshrl.u32 v15, $0x2;
	v7 =	vnsel vm0, $0x0, v7;
	v8 =	vnsel vm1, $0x0, v2  }
0x3a: {  	v2 =	vmul.u32 $0x640, v6;
	vm0 =	vgt.s32 v3, $0x0;
	vm1 =	vgt.s32 v4, $0x0  }
0x3b: {  	v6 =	vmin.u32 v7, $0x27;
	v7 =	vmin.u32 v8, $0x27;
	v8 =	vnsel vm0, $0x0, v3  }
0x3c: {  	v4 =	vnsel vm1, $0x0, v4;
	v7 =	vmul.u32 $0x28, v7;
	v6 =	vmul.u32 $0x28, v6  }
0x3d: {  	v3 =	vmul.u32 $0x99, v5;
	v5 =	vmin.u32 v8, $0x27;
	v8 =	vmin.u32 v4, $0x27  }
0x3e: {  	v4 =	vadd.s32 $0x1900, v2;
	v5 =	vadd.s32 v5, v6;
	v6 =	vadd.s32 v8, v7  }
0x3f: {  	s5 =	sand.u32 $0xF, s5;
	v5 =	vadd.s32 v2, v5;
	v6 =	vadd.s32 v4, v6  }
0x40: {  	s18 =	smul.u32 $0xA, s5;
	v7 =	vmul.u32 v1, v5;
	v6 =	vmul.u32 v3, v6;
	_ =	sdelay $0x1  }
0x41: {  	v5 =	vmov s18;
	v16 =	vadd.s32 v7, v6  }
0x42: {  	s5 =	sor.u32 $0x1, s18;
	v7 =	vadd.s32 v5, v16  }
0x43: {  	v6 =	vmov s5;
	vm0 =	vlt.s32 v7, $0x1DE1FF  }
0x44: {  	s19 =	sadd.s32 $0x2, s18;
	v8 =	vadd.s32 v6, v16;
	v10 =	vnsel vm0, $0x1DE1FF, v7  }
0x45: {  	v7 =	vmov s19;
	vm0 =	vlt.s32 v8, $0x1DE1FF  }
0x46: {  	s20 =	sadd.s32 $0x3, s18;
	v9 =	vadd.s32 v7, v16;
	v11 =	vnsel vm0, $0x1DE1FF, v8  }
0x47: {  	v8 =	vmov s20;
	vm1 =	vlt.s32 v9, $0x1DE1FF  }
0x48: {  	s21 =	sadd.s32 $0x4, s18;
	s5 =	sadd.s32 $0x1600, s4;
	s4 =	simm.s32 $0x100;
	vm0 =	vmmov $0xffff;
	v13 =	vadd.s32 v8, v16;
	v12 =	vnsel vm1, $0x1DE1FF, v9  }
0x49: {  	v9 =	vmov s21;
	vm1 =	vlt.s32 v13, $0x1DE1FF;
	[tilespmem:s4], [sflag:$0x1] =	stream.indirect_vreg.gather [hbm4b:s5+s2], $0x1, v10, vm0, $0xb8;
	[tilespmem:$0x400] =	vst v63  }
0x4a: {  	s22 =	sadd.s32 $0x5, s18;
	s8 =	rddreg [dreg:$0x8];
	v14 =	vadd.s32 v9, v16;
	v13 =	vnsel vm1, $0x1DE1FF, v13  }
0x4b: {  	v10 =	vmov s22;
	vm1 =	vlt.s32 v14, $0x1DE1FF;
	[tilespmem:s8], [sflag:$0x1] =	stream.indirect_vreg.gather [hbm4b:s5+s2], $0x1, v11, vm0, $0xb8;
	[tilespmem:$0x400] =	vst v63  }
0x4c: {  	s23 =	sadd.s32 $0x6, s18;
	s9 =	rddreg [dreg:$0x9];
	v17 =	vadd.s32 v10, v16;
	v14 =	vnsel vm1, $0x1DE1FF, v14  }
0x4d: {  	v11 =	vmov s23;
	vm1 =	vlt.s32 v17, $0x1DE1FF;
	[tilespmem:s9], [sflag:$0x1] =	stream.indirect_vreg.gather [hbm4b:s5+s2], $0x1, v12, vm0, $0xb8;
	[tilespmem:$0x400] =	vst v63  }
0x4e: {  	s26 =	sadd.s32 $0x7, s18;
	s25 =	rddreg [dreg:$0xa];
	v17 =	vnsel vm1, $0x1DE1FF, v17;
	v18 =	vadd.s32 v11, v16  }
0x4f: {  	v12 =	vmov s26;
	vm1 =	vlt.s32 v18, $0x1DE1FF;
	[tilespmem:s25], [sflag:$0x1] =	stream.indirect_vreg.gather [hbm4b:s5+s2], $0x1, v13, vm0, $0xb8;
	[tilespmem:$0x400] =	vst v63  }
0x50: {  	s10 =	sadd.s32 $0x8, s18;
	s0 =	rddreg [dreg:$0xb];
	v19 =	vadd.s32 v12, v16;
	v18 =	vnsel vm1, $0x1DE1FF, v18  }
0x51: {  	v13 =	vmov s10;
	vm1 =	vlt.s32 v19, $0x1DE1FF;
	[tilespmem:s0], [sflag:$0x1] =	stream.indirect_vreg.gather [hbm4b:s5+s2], $0x1, v14, vm0, $0xb8;
	[tilespmem:$0x400] =	vst v63  }
0x52: {  	v20 =	vmov s24;
	s6 =	sadd.s32 $0x9, s18;
	s11 =	rddreg [dreg:$0xc];
	v21 =	vadd.s32 v13, v16;
	v19 =	vnsel vm1, $0x1DE1FF, v19  }
0x53: {  	v20 =	vmul.u32 $0x99, v20;
	v14 =	vmov s6;
	vm1 =	vlt.s32 v21, $0x1DE1FF;
	[tilespmem:s11], [sflag:$0x1] =	stream.indirect_vreg.gather [hbm4b:s5+s2], $0x1, v17, vm0, $0xb8;
	[tilespmem:$0x400] =	vst v63  }
0x54: {  	s13 =	sadd.s32 $0x10, s24;
	s12 =	rddreg [dreg:$0xd];
	v16 =	vadd.s32 v14, v16;
	v17 =	vnsel vm1, $0x1DE1FF, v21  }
0x55: {  	v20 =	vbroadcast v20, $0x0;
	v21 =	vmov s13;
	vm1 =	vlt.s32 v16, $0x1DE1FF;
	[tilespmem:s12], [sflag:$0x1] =	stream.indirect_vreg.gather [hbm4b:s5+s2], $0x1, v18, vm0, $0xb8;
	[tilespmem:$0x400] =	vst v63  }
0x56: {  	s15 =	sadd.s32 $0x20, s24;
	s14 =	rddreg [dreg:$0xe];
	v39 =	vmul.u32 $0x99, v15;
	v18 =	vmul.u32 $0x99, v21;
	v21 =	vnsel vm1, $0x1DE1FF, v16  }
0x57: {  	v16 =	vmov s15;
	[tilespmem:s14], [sflag:$0x1] =	stream.indirect_vreg.gather [hbm4b:s5+s2], $0x1, v19, vm0, $0xb8;
	[tilespmem:$0x400] =	vst v63  }
0x58: {  	s17 =	sadd.s32 $0x30, s24;
	s16 =	rddreg [dreg:$0xf];
	v15 =	vadd.s32 v39, v20;
	v18 =	vbroadcast v18, $0x0;
	v19 =	vmul.u32 $0x99, v16  }
0x59: {  	v20 =	vmov s17;
	[tilespmem:s16], [sflag:$0x1] =	stream.indirect_vreg.gather [hbm4b:s5+s2], $0x1, v17, vm0, $0xb8;
	[tilespmem:$0x400] =	vst v63  }
0x5a: {  	s18 =	rddreg [dreg:$0x10];
	s19 =	sadd.s32 $0x40, s24;
	v16 =	vadd.s32 v39, v18;
	v17 =	vbroadcast v19, $0x0;
	v18 =	vmul.u32 $0x99, v20  }
0x5b: {  	v19 =	vmov s19;
	[tilespmem:s18], [sflag:$0x1] =	stream.indirect_vreg.gather [hbm4b:s5+s2], $0x1, v21, vm0, $0xb8;
	[tilespmem:$0x400] =	vst v63  }
0x5c: {  	s20 =	sadd.s32 $0x50, s24;
	s6 =	simm.s32 $0x200;
	v19 =	vmul.u32 $0x99, v19;
	v17 =	vadd.s32 v39, v17;
	v18 =	vbroadcast v18, $0x0  }
0x5d: {  	v20 =	vmov s20;
	[tilespmem:s6], [sflag:$0x1] =	stream.indirect_vreg.gather [hbm4b:s5+s2], $0x1, v15, vm0, $0xb8;
	[tilespmem:$0x400] =	vst v63  }
0x5e: {  	s21 =	rddreg [dreg:$0x11];
	s22 =	sadd.s32 $0x60, s24;
	v20 =	vmul.u32 $0x99, v20;
	v19 =	vbroadcast v19, $0x0;
	v18 =	vadd.s32 v39, v18  }
0x5f: {  	v21 =	vmov s22;
	[tilespmem:s21], [sflag:$0x1] =	stream.indirect_vreg.gather [hbm4b:s5+s2], $0x1, v16, vm0, $0xb8;
	[tilespmem:$0x400] =	vst v63  }
0x60: {  	s23 =	sadd.s32 $0x70, s24;
	s25 =	simm.s32 $0x220;
	v20 =	vbroadcast v20, $0x0;
	v21 =	vmul.u32 $0x99, v21;
	v19 =	vadd.s32 v39, v19  }
0x61: {  	v22 =	vmov s23;
	[tilespmem:s25], [sflag:$0x1] =	stream.indirect_vreg.gather [hbm4b:s5+s2], $0x1, v17, vm0, $0xb8;
	[tilespmem:$0x400] =	vst v63  }
0x62: {  	s8 =	simm.s32 $0x230;
	v22 =	vmul.u32 $0x99, v22;
	s26 =	sadd.s32 $0x80, s24;
	v20 =	vadd.s32 v39, v20;
	v21 =	vbroadcast v21, $0x0  }
0x63: {  	v23 =	vmov s26;
	[tilespmem:s8], [sflag:$0x1] =	stream.indirect_vreg.gather [hbm4b:s5+s2], $0x1, v18, vm0, $0xb8;
	[tilespmem:$0x400] =	vst v63  }
0x64: {  	s9 =	simm.s32 $0x240;
	v22 =	vbroadcast v22, $0x0;
	v23 =	vmul.u32 $0x99, v23;
	s10 =	sadd.s32 $0x90, s24;
	v21 =	vadd.s32 v39, v21  }
0x65: {  	v24 =	vmov s10;
	[tilespmem:s9], [sflag:$0x1] =	stream.indirect_vreg.gather [hbm4b:s5+s2], $0x1, v19, vm0, $0xb8;
	[tilespmem:$0x400] =	vst v63  }
0x66: {  	s10 =	simm.s32 $0x250;
	v22 =	vadd.s32 v39, v22;
	v23 =	vbroadcast v23, $0x0;
	v24 =	vmul.u32 $0x99, v24;
	s11 =	sadd.s32 $0xA0, s24  }
0x67: {  	v25 =	vmov s11;
	[tilespmem:s10], [sflag:$0x1] =	stream.indirect_vreg.gather [hbm4b:s5+s2], $0x1, v20, vm0, $0xb8;
	[tilespmem:$0x400] =	vst v63  }
0x68: {  	v23 =	vadd.s32 v39, v23;
	v24 =	vbroadcast v24, $0x0;
	s11 =	simm.s32 $0x260;
	v25 =	vmul.u32 $0x99, v25;
	s12 =	sadd.s32 $0xB0, s24  }
0x69: {  	v26 =	vmov s12;
	[tilespmem:s11], [sflag:$0x1] =	stream.indirect_vreg.gather [hbm4b:s5+s2], $0x1, v21, vm0, $0xb8;
	[tilespmem:$0x400] =	vst v63  }
0x6a: {  	s13 =	sadd.s32 $0xC0, s24;
	v24 =	vadd.s32 v39, v24;
	s12 =	simm.s32 $0x270;
	v25 =	vbroadcast v25, $0x0;
	v26 =	vmul.u32 $0x99, v26  }
0x6b: {  	v27 =	vmov s13;
	[tilespmem:s12], [sflag:$0x1] =	stream.indirect_vreg.gather [hbm4b:s5+s2], $0x1, v22, vm0, $0xb8;
	[tilespmem:$0x400] =	vst v63  }
0x6c: {  	s13 =	simm.s32 $0x280;
	v27 =	vmul.u32 $0x99, v27;
	s14 =	sadd.s32 $0xD0, s24;
	v25 =	vadd.s32 v39, v25;
	v26 =	vbroadcast v26, $0x0  }
0x6d: {  	v28 =	vmov s14;
	[tilespmem:s13], [sflag:$0x1] =	stream.indirect_vreg.gather [hbm4b:s5+s2], $0x1, v23, vm0, $0xb8;
	[tilespmem:$0x400] =	vst v63  }
0x6e: {  	s15 =	sadd.s32 $0xE0, s24;
	v27 =	vbroadcast v27, $0x0;
	s14 =	simm.s32 $0x290;
	v28 =	vmul.u32 $0x99, v28;
	v26 =	vadd.s32 v39, v26  }
0x6f: {  	v29 =	vmov s15;
	[tilespmem:s14], [sflag:$0x1] =	stream.indirect_vreg.gather [hbm4b:s5+s2], $0x1, v24, vm0, $0xb8;
	[tilespmem:$0x400] =	vst v63  }
0x70: {  	s15 =	simm.s32 $0x2A0;
	v29 =	vmul.u32 $0x99, v29;
	v27 =	vadd.s32 v39, v27;
	s16 =	sadd.s32 $0xF0, s24;
	v28 =	vbroadcast v28, $0x0  }
0x71: {  	v30 =	vmov s16;
	[tilespmem:s15], [sflag:$0x1] =	stream.indirect_vreg.gather [hbm4b:s5+s2], $0x1, v25, vm0, $0xb8;
	[tilespmem:$0x400] =	vst v63  }
0x72: {  	s17 =	sadd.s32 $0x100, s24;
	v29 =	vbroadcast v29, $0x0;
	s16 =	simm.s32 $0x2B0;
	v30 =	vmul.u32 $0x99, v30;
	v28 =	vadd.s32 v39, v28  }
0x73: {  	v31 =	vmov s17;
	[tilespmem:s16], [sflag:$0x1] =	stream.indirect_vreg.gather [hbm4b:s5+s2], $0x1, v26, vm0, $0xb8;
	[tilespmem:$0x400] =	vst v63  }
0x74: {  	s17 =	simm.s32 $0x2C0;
	v31 =	vmul.u32 $0x99, v31;
	v29 =	vadd.s32 v39, v29;
	s18 =	sadd.s32 $0x110, s24;
	v30 =	vbroadcast v30, $0x0  }
0x75: {  	v32 =	vmov s18;
	[tilespmem:s17], [sflag:$0x1] =	stream.indirect_vreg.gather [hbm4b:s5+s2], $0x1, v27, vm0, $0xb8;
	[tilespmem:$0x400] =	vst v63  }
0x76: {  	v31 =	vbroadcast v31, $0x0;
	s19 =	sadd.s32 $0x120, s24;
	s18 =	simm.s32 $0x2D0;
	v32 =	vmul.u32 $0x99, v32;
	v30 =	vadd.s32 v39, v30  }
0x77: {  	v33 =	vmov s19;
	[tilespmem:s18], [sflag:$0x1] =	stream.indirect_vreg.gather [hbm4b:s5+s2], $0x1, v28, vm0, $0xb8;
	[tilespmem:$0x400] =	vst v63  }
0x78: {  	v31 =	vadd.s32 v39, v31;
	s20 =	sadd.s32 $0x130, s24;
	s19 =	simm.s32 $0x2E0;
	v33 =	vmul.u32 $0x99, v33;
	v32 =	vbroadcast v32, $0x0  }
0x79: {  	v34 =	vmov s20;
	[tilespmem:s19], [sflag:$0x1] =	stream.indirect_vreg.gather [hbm4b:s5+s2], $0x1, v29, vm0, $0xb8;
	[tilespmem:$0x400] =	vst v63  }
0x7a: {  	s20 =	simm.s32 $0x2F0;
	v34 =	vmul.u32 $0x99, v34;
	v33 =	vbroadcast v33, $0x0;
	s21 =	sadd.s32 $0x140, s24;
	v32 =	vadd.s32 v39, v32  }
0x7b: {  	v35 =	vmov s21;
	[tilespmem:s20], [sflag:$0x1] =	stream.indirect_vreg.gather [hbm4b:s5+s2], $0x1, v30, vm0, $0xb8;
	[tilespmem:$0x400] =	vst v63  }
0x7c: {  	s22 =	sadd.s32 $0x150, s24;
	v34 =	vbroadcast v34, $0x0;
	v33 =	vadd.s32 v39, v33;
	s21 =	simm.s32 $0x300;
	v35 =	vmul.u32 $0x99, v35  }
0x7d: {  	v36 =	vmov s22;
	[tilespmem:s21], [sflag:$0x1] =	stream.indirect_vreg.gather [hbm4b:s5+s2], $0x1, v31, vm0, $0xb8;
	[tilespmem:$0x400] =	vst v63  }
0x7e: {  	s23 =	sadd.s32 $0x160, s24;
	s22 =	simm.s32 $0x310;
	v36 =	vmul.u32 $0x99, v36;
	v34 =	vadd.s32 v39, v34;
	v35 =	vbroadcast v35, $0x0  }
0x7f: {  	v37 =	vmov s23;
	[tilespmem:s22], [sflag:$0x1] =	stream.indirect_vreg.gather [hbm4b:s5+s2], $0x1, v32, vm0, $0xb8;
	[tilespmem:$0x400] =	vst v63  }
0x80: {  	s23 =	simm.s32 $0x320;
	v37 =	vmul.u32 $0x99, v37;
	v36 =	vbroadcast v36, $0x0;
	s25 =	sadd.s32 $0x170, s24;
	v35 =	vadd.s32 v39, v35  }
0x81: {  	v38 =	vmov s25;
	[tilespmem:s23], [sflag:$0x1] =	stream.indirect_vreg.gather [hbm4b:s5+s2], $0x1, v33, vm0, $0xb8;
	[tilespmem:$0x400] =	vst v63  }
0x82: {  	v37 =	vbroadcast v37, $0x0;
	s0 =	sadd.s32 $0x180, s24;
	v36 =	vadd.s32 v39, v36;
	s24 =	simm.s32 $0x330;
	v38 =	vmul.u32 $0x99, v38  }
0x83: {  	v40 =	vmov s0;
	[tilespmem:s24], [sflag:$0x1] =	stream.indirect_vreg.gather [hbm4b:s5+s2], $0x1, v34, vm0, $0xb8;
	[tilespmem:$0x400] =	vst v63  }
0x84: {  	v37 =	vadd.s32 v39, v37;
	v40 =	vmul.u32 $0x99, v40;
	s25 =	simm.s32 $0x340;
	v38 =	vbroadcast v38, $0x0  }
0x85: {  	[tilespmem:s25], [sflag:$0x1] =	stream.indirect_vreg.gather [hbm4b:s5+s2], $0x1, v35, vm0, $0xb8;
	[tilespmem:$0x400] =	vst v63  }
0x86: {  	s26 =	simm.s32 $0x350;
	v40 =	vbroadcast v40, $0x0;
	v38 =	vadd.s32 v39, v38  }
0x87: {  	[tilespmem:s26], [sflag:$0x1] =	stream.indirect_vreg.gather [hbm4b:s5+s2], $0x1, v36, vm0, $0xb8;
	[tilespmem:$0x400] =	vst v63  }
0x88: {  	s29 =	simm.s32 $0x360;
	v39 =	vadd.s32 v39, v40  }
0x89: {  	[tilespmem:s29], [sflag:$0x1] =	stream.indirect_vreg.gather [hbm4b:s5+s2], $0x1, v37, vm0, $0xb8;
	[tilespmem:$0x400] =	vst v63  }
0x8a: {  	s30 =	simm.s32 $0x370  }
0x8b: {  	[tilespmem:s30], [sflag:$0x1] =	stream.indirect_vreg.gather [hbm4b:s5+s2], $0x1, v38, vm0, $0xb8;
	[tilespmem:$0x400] =	vst v63  }
0x8c: {  	s31 =	simm.s32 $0x380;
	s28 =	simm.s32 $0x1  }
0x8d: {  	[tilespmem:s31], [sflag:$0x1] =	stream.indirect_vreg.gather [hbm4b:s5+s2], $0x1, v39, vm0, $0xb8;
	[tilespmem:$0x400] =	vst v63  }
0x8e: {  	_ =	swait.ge [sflag:s28], $0x10  }
0x8f: {  	[sflag:s28] =	ssyncset.done $0x0  }
0x90: {  	[sflag:s28] =	ssyncadd.s32 $0xFFFFFFF0  }
0x91: {  	_ =	swait.ge [sflag:s28], $0x10  }
0x92: {  	[sflag:s28] =	ssyncset.done $0x0  }
0x93: {  	[sflag:s28] =	ssyncadd.s32 $0xFFFFFFF0  }
0x94: {  	_ =	swait.ge [sflag:s28], $0x10  }
0x95: {  	[sflag:s28] =	ssyncset.done $0x0  }
0x96: {  	[sflag:s28] =	ssyncadd.s32 $0xFFFFFFF0  }
0x97: {  	_ =	swait.ge [sflag:s28], $0x10  }
0x98: {  	[sflag:s28] =	ssyncset.done $0x0  }
0x99: {  	[sflag:s28] =	ssyncadd.s32 $0xFFFFFFF0  }
0x9a: {  	_ =	swait.ge [sflag:s28], $0x10  }
0x9b: {  	[sflag:s28] =	ssyncset.done $0x0  }
0x9c: {  	[sflag:s28] =	ssyncadd.s32 $0xFFFFFFF0  }
0x9d: {  	_ =	swait.ge [sflag:s28], $0x10  }
0x9e: {  	[sflag:s28] =	ssyncset.done $0x0  }
0x9f: {  	[sflag:s28] =	ssyncadd.s32 $0xFFFFFFF0  }
0xa0: {  	_ =	swait.ge [sflag:s28], $0x10  }
0xa1: {  	[sflag:s28] =	ssyncset.done $0x0  }
0xa2: {  	[sflag:s28] =	ssyncadd.s32 $0xFFFFFFF0  }
0xa3: {  	_ =	swait.ge [sflag:s28], $0x10  }
0xa4: {  	[sflag:s28] =	ssyncset.done $0x0  }
0xa5: {  	[sflag:s28] =	ssyncadd.s32 $0xFFFFFFF0  }
0xa6: {  	_ =	swait.ge [sflag:s28], $0x10  }
0xa7: {  	[sflag:s28] =	ssyncset.done $0x0  }
0xa8: {  	[sflag:s28] =	ssyncadd.s32 $0xFFFFFFF0  }
0xa9: {  	_ =	swait.ge [sflag:s28], $0x10  }
0xaa: {  	[sflag:s28] =	ssyncset.done $0x0  }
0xab: {  	[sflag:s28] =	ssyncadd.s32 $0xFFFFFFF0  }
0xac: {  	_ =	swait.ge [sflag:s28], $0x10  }
0xad: {  	[sflag:s28] =	ssyncset.done $0x0  }
0xae: {  	[sflag:s28] =	ssyncadd.s32 $0xFFFFFFF0  }
0xaf: {  	_ =	swait.ge [sflag:s28], $0x10  }
0xb0: {  	[sflag:s28] =	ssyncset.done $0x0  }
0xb1: {  	[sflag:s28] =	ssyncadd.s32 $0xFFFFFFF0  }
0xb2: {  	_ =	swait.ge [sflag:s28], $0x10  }
0xb3: {  	[sflag:s28] =	ssyncset.done $0x0  }
0xb4: {  	[sflag:s28] =	ssyncadd.s32 $0xFFFFFFF0  }
0xb5: {  	_ =	swait.ge [sflag:s28], $0x10  }
0xb6: {  	[sflag:s28] =	ssyncset.done $0x0  }
0xb7: {  	[sflag:s28] =	ssyncadd.s32 $0xFFFFFFF0  }
0xb8: {  	_ =	swait.ge [sflag:s28], $0x10  }
0xb9: {  	[sflag:s28] =	ssyncset.done $0x0  }
0xba: {  	[sflag:s28] =	ssyncadd.s32 $0xFFFFFFF0  }
0xbb: {  	_ =	swait.ge [sflag:s28], $0x10  }
0xbc: {  	[sflag:s28] =	ssyncset.done $0x0  }
0xbd: {  	[sflag:s28] =	ssyncadd.s32 $0xFFFFFFF0  }
0xbe: {  	_ =	swait.ge [sflag:s28], $0x10  }
0xbf: {  	[sflag:s28] =	ssyncset.done $0x0  }
0xc0: {  	[sflag:s28] =	ssyncadd.s32 $0xFFFFFFF0  }
0xc1: {  	_ =	swait.ge [sflag:s28], $0x10  }
0xc2: {  	[sflag:s28] =	ssyncset.done $0x0  }
0xc3: {  	[sflag:s28] =	ssyncadd.s32 $0xFFFFFFF0  }
0xc4: {  	_ =	swait.ge [sflag:s28], $0x10  }
0xc5: {  	[sflag:s28] =	ssyncset.done $0x0  }
0xc6: {  	[sflag:s28] =	ssyncadd.s32 $0xFFFFFFF0  }
0xc7: {  	_ =	swait.ge [sflag:s28], $0x10  }
0xc8: {  	[sflag:s28] =	ssyncset.done $0x0  }
0xc9: {  	[sflag:s28] =	ssyncadd.s32 $0xFFFFFFF0  }
0xca: {  	_ =	swait.ge [sflag:s28], $0x10  }
0xcb: {  	[sflag:s28] =	ssyncset.done $0x0  }
0xcc: {  	[sflag:s28] =	ssyncadd.s32 $0xFFFFFFF0  }
0xcd: {  	_ =	swait.ge [sflag:s28], $0x10  }
0xce: {  	[sflag:s28] =	ssyncset.done $0x0  }
0xcf: {  	[sflag:s28] =	ssyncadd.s32 $0xFFFFFFF0  }
0xd0: {  	_ =	swait.ge [sflag:s28], $0x10  }
0xd1: {  	[sflag:s28] =	ssyncset.done $0x0  }
0xd2: {  	[sflag:s28] =	ssyncadd.s32 $0xFFFFFFF0  }
0xd3: {  	_ =	swait.ge [sflag:s28], $0x10  }
0xd4: {  	[sflag:s28] =	ssyncset.done $0x0  }
0xd5: {  	[sflag:s28] =	ssyncadd.s32 $0xFFFFFFF0  }
0xd6: {  	_ =	swait.ge [sflag:s28], $0x10  }
0xd7: {  	[sflag:s28] =	ssyncset.done $0x0  }
0xd8: {  	[sflag:s28] =	ssyncadd.s32 $0xFFFFFFF0  }
0xd9: {  	_ =	swait.ge [sflag:s28], $0x10  }
0xda: {  	[sflag:s28] =	ssyncset.done $0x0  }
0xdb: {  	[sflag:s28] =	ssyncadd.s32 $0xFFFFFFF0  }
0xdc: {  	_ =	swait.ge [sflag:s28], $0x10  }
0xdd: {  	[sflag:s28] =	ssyncset.done $0x0  }
0xde: {  	[sflag:s28] =	ssyncadd.s32 $0xFFFFFFF0  }
0xdf: {  	_ =	swait.ge [sflag:s28], $0x10  }
0xe0: {  	[sflag:s28] =	ssyncset.done $0x0  }
0xe1: {  	[sflag:s28] =	ssyncadd.s32 $0xFFFFFFF0  }
0xe2: {  	_ =	swait.ge [sflag:s28], $0x10  }
0xe3: {  	[sflag:s28] =	ssyncset.done $0x0  }
0xe4: {  	[sflag:s28] =	ssyncadd.s32 $0xFFFFFFF0  }
0xe5: {  	_ =	swait.ge [sflag:s28], $0x10  }
0xe6: {  	[sflag:s28] =	ssyncset.done $0x0  }
0xe7: {  	s1 =	ssub.s32 $0x2, s1;
	[sflag:s28] =	ssyncadd.s32 $0xFFFFFFF0  }
0xe8: {  	s7 =	sshrl.u32 s1, $0x1;
	_ =	swait.ge [sflag:s28], $0x10  }
0xe9: {  	s0 =	ssub.s32 s1, s7;
	[sflag:s28] =	ssyncset.done $0x0  }
0xea: {  	s0 =	smax.u32 s0, $0x1;
	[sflag:s28] =	ssyncadd.s32 $0xFFFFFFF0  }
0xeb: {  	p0 =	sne.s32 s0, $0x1;
	_ =	swait.ge [sflag:s28], $0x10  }
.Ltmp0:
0xec: {  	[sflag:s28] =	ssyncset.done $0x0;
	(pc) =	sbr.rel @!p0 .LBB2_2-.Ltmp0, $4  }
0xed: {  	[sflag:s28] =	ssyncadd.s32 $0xFFFFFFF0  }
0xee: {  	_ =	swait.ge [sflag:s28], $0x10  }
0xef: {  	[sflag:s28] =	ssyncset.done $0x0  }
0xf0: {  	s1 =	sadd.s32 $0xFFFFFFFF, s0;
	[sflag:s28] =	ssyncadd.s32 $0xFFFFFFF0  }
.LBB2_1:
0xf1: {  	_ =	swait.ge [sflag:s28], $0x10  }
0xf2: {  	[sflag:s28] =	ssyncset.done $0x0  }
0xf3: {  	[sflag:s28] =	ssyncadd.s32 $0xFFFFFFF0  }
0xf4: {  	_ =	swait.ge [sflag:s28], $0x10  }
0xf5: {  	[sflag:s28] =	ssyncset.done $0x0  }
0xf6: {  	s0 =	rddreg [dreg:$0x5];
	[sflag:s28] =	ssyncadd.s32 $0xFFFFFFF0  }
0xf7: {  	[hbm4b:s0+s2] =	stream.linear.scatter [tilespmem:s4], [sflag:$0x2], $0xA0, $0x38;
	[tilespmem:$0x400] =	vst v63  }
0xf8: {  	_ =	swait.ge [sflag:s3], $0xA0  }
0xf9: {  	[sflag:s3] =	ssyncset.done $0x0  }
0xfa: {  	s7 =	rddreg [dreg:$0x6];
	[sflag:s3] =	ssyncadd.s32 $0xFFFFFF60  }
0xfb: {  	[hbm4b:s7+s2] =	stream.linear.scatter [tilespmem:s6], [sflag:$0x2], $0x190, $0x38;
	[tilespmem:$0x400] =	vst v63  }
0xfc: {  	_ =	swait.ge [sflag:s3], $0x190  }
0xfd: {  	[sflag:s3] =	ssyncset.done $0x0  }
0xfe: {  	s7 =	rddreg [dreg:$0x3];
	[sflag:s3] =	ssyncadd.s32 $0xFFFFFE70  }
0xff: {  	[tilespmem:s2], [sflag:$0x2] =	stream.linear.gather [hbm4b:s7+s2], $0x80, $0x38;
	[tilespmem:$0x400] =	vst v63  }
0x100: {  	_ =	swait.ge [sflag:s3], $0x80  }
0x101: {  	[sflag:s3] =	ssyncset.done $0x0;
	s0 =	rddreg [dreg:$0x4]  }
0x102: {  	s7 =	rddreg [dreg:$0x7];
	[sflag:s3] =	ssyncadd.s32 $0xFFFFFF80  }
0x103: {  	[tilespmem:s7], [sflag:$0x2] =	stream.linear.gather [hbm4b:s0+s2], $0x80, $0x38;
	[tilespmem:$0x400] =	vst v63  }
0x104: {  	_ =	swait.ge [sflag:s3], $0x80  }
0x105: {  	[sflag:s3] =	ssyncset.done $0x0  }
0x106: {  	[sflag:s3] =	ssyncadd.s32 $0xFFFFFF80  }
0x107: {  	v40 =	vld [tilespmem:$0x60]  }
0x108: {  	v41 =	vld [tilespmem:$0x20]  }
0x109: {  	v42 =	vld [tilespmem:$0x0]  }
0x10a: {  	v43 =	vld [tilespmem:$0x30]  }
0x10b: {  	v45 =	vld [tilespmem:$0x80]  }
0x10c: {  	v44 =	vld [tilespmem:$0x40]  }
0x10d: {  	v46 =	vld [tilespmem:$0x50]  }
0x10e: {  	v48 =	vld [tilespmem:$0x10]  }
0x10f: {  	v49 =	vld [tilespmem:$0x70]  }
0x110: {  	v51 =	vmul.f32 v45, v0  }
0x111: {  	v47 =	vmax.f32 v42, v41;
	v60 =	vmul.f32 v44, v45;
	v61 =	vmul.f32 v40, v45  }
0x112: {  	v50 =	vmax.f32 v44, v40;
	v52 =	vmul.f32 v46, v45;
	v53 =	vmul.f32 v41, v45  }
0x113: {  	v54 =	vmax.f32 v48, v43;
	v62 =	vmul.f32 v42, v45;
	(erf) = vrcp.f32 v51  }
0x114: {  	v55 =	vmax.f32 v46, v49;
	v56 =	vmul.f32 v48, v45;
	v47 =	vmax.f32 v47, v50  }
0x115: {  	v63 =	vmul.f32 v43, v45;
	v54 =	vmax.f32 v54, v55;
	vm1 =	vle.f32 v47, $1.500000000e+00  }
0x116: {  	v45 =	vmul.f32 v49, v45;
	vm2 =	vle.f32 v54, $1.500000000e+00;
	v41 =	vsel vm1, v53, v41  }
0x117: {  	v44 =	vsel vm1, v60, v44;
	v40 =	vsel vm1, v61, v40;
	v46 =	vsel vm2, v52, v46  }
0x118: {  	v45 =	vsel vm2, v45, v49;
	v42 =	vsel vm1, v62, v42;
	v50 =	vsel vm2, v63, v43  }
0x119: {  	v51 =	vsel vm2, v56, v48;
	v40 =	vadd.f32 v40, v41;
	v41 =	vadd.f32 v45, v50  }
0x11a: {  	v42 =	vadd.f32 v44, v42;
	v43 =	vadd.f32 v46, v51  }
0x11b: {  	v40 =	vmul.f32 $5.000000000e-01, v40;
	v41 =	vmul.f32 $5.000000000e-01, v41  }
0x11c: {  	v42 =	vmul.f32 $5.000000000e-01, v42;
	v43 =	vmul.f32 $5.000000000e-01, v43;
	v52 =	vpop (erf)  }
0x11d: {  	v40 =	vmul.f32 v40, v52;
	v41 =	vmul.f32 v41, v52  }
0x11e: {  	v42 =	vmul.f32 v42, v52;
	v43 =	vmul.f32 v43, v52  }
0x11f: {  	v40 =	vtrunc.f32 v40;
	v41 =	vtrunc.f32 v41  }
0x120: {  	v43 =	vtrunc.f32 v43;
	v40 =	vcvt.f32.s32 v40  }
0x121: {  	v42 =	vtrunc.f32 v42;
	v41 =	vcvt.f32.s32 v41  }
0x122: {  	v43 =	vcvt.f32.s32 v43;
	v42 =	vcvt.f32.s32 v42;
	vm1 =	vgt.s32 v40, $0x0  }
0x123: {  	vm2 =	vgt.s32 v41, $0x0;
	v40 =	vnsel vm1, $0x0, v40  }
0x124: {  	v41 =	vnsel vm2, $0x0, v41;
	vm1 =	vgt.s32 v42, $0x0;
	vm2 =	vgt.s32 v43, $0x0  }
0x125: {  	v40 =	vmin.u32 v40, $0x27;
	v41 =	vmin.u32 v41, $0x27;
	v42 =	vnsel vm1, $0x0, v42  }
0x126: {  	v43 =	vnsel vm2, $0x0, v43;
	v41 =	vmul.u32 $0x28, v41;
	v40 =	vmul.u32 $0x28, v40  }
0x127: {  	v42 =	vmin.u32 v42, $0x27;
	v43 =	vmin.u32 v43, $0x27  }
0x128: {  	v40 =	vadd.s32 v42, v40;
	v41 =	vadd.s32 v43, v41  }
0x129: {  	v40 =	vadd.s32 v2, v40;
	v41 =	vadd.s32 v4, v41  }
0x12a: {  	v40 =	vmul.u32 v1, v40;
	v41 =	vmul.u32 v3, v41;
	_ =	sdelay $0x1  }
0x12b: {  	v40 =	vadd.s32 v40, v41  }
0x12c: {  	v41 =	vadd.s32 v5, v40  }
0x12d: {  	vm1 =	vlt.s32 v41, $0x1DE1FF  }
0x12e: {  	v53 =	vadd.s32 v6, v40;
	v41 =	vnsel vm1, $0x1DE1FF, v41  }
0x12f: {  	vm2 =	vlt.s32 v53, $0x1DE1FF  }
0x130: {  	v54 =	vadd.s32 v7, v40;
	v42 =	vnsel vm2, $0x1DE1FF, v53  }
0x131: {  	vm3 =	vlt.s32 v54, $0x1DE1FF  }
0x132: {  	v55 =	vadd.s32 v8, v40;
	v43 =	vnsel vm3, $0x1DE1FF, v54  }
0x133: {  	vm1 =	vlt.s32 v55, $0x1DE1FF;
	[tilespmem:s4], [sflag:$0x1] =	stream.indirect_vreg.gather [hbm4b:s5+s2], $0x1, v41, vm0, $0xb8;
	[tilespmem:$0x400] =	vst v63  }
0x134: {  	s0 =	rddreg [dreg:$0x8];
	v56 =	vadd.s32 v9, v40;
	v44 =	vnsel vm1, $0x1DE1FF, v55  }
0x135: {  	vm2 =	vlt.s32 v56, $0x1DE1FF;
	[tilespmem:s0], [sflag:$0x1] =	stream.indirect_vreg.gather [hbm4b:s5+s2], $0x1, v42, vm0, $0xb8;
	[tilespmem:$0x400] =	vst v63  }
0x136: {  	s7 =	rddreg [dreg:$0x9];
	v57 =	vadd.s32 v10, v40;
	v45 =	vnsel vm2, $0x1DE1FF, v56  }
0x137: {  	vm3 =	vlt.s32 v57, $0x1DE1FF;
	[tilespmem:s7], [sflag:$0x1] =	stream.indirect_vreg.gather [hbm4b:s5+s2], $0x1, v43, vm0, $0xb8;
	[tilespmem:$0x400] =	vst v63  }
0x138: {  	v58 =	vadd.s32 v11, v40;
	v46 =	vnsel vm3, $0x1DE1FF, v57;
	s0 =	rddreg [dreg:$0xa]  }
0x139: {  	vm1 =	vlt.s32 v58, $0x1DE1FF;
	[tilespmem:s0], [sflag:$0x1] =	stream.indirect_vreg.gather [hbm4b:s5+s2], $0x1, v44, vm0, $0xb8;
	[tilespmem:$0x400] =	vst v63  }
0x13a: {  	v59 =	vadd.s32 v12, v40;
	v61 =	vnsel vm1, $0x1DE1FF, v58;
	s7 =	rddreg [dreg:$0xb]  }
0x13b: {  	vm2 =	vlt.s32 v59, $0x1DE1FF;
	[tilespmem:s7], [sflag:$0x1] =	stream.indirect_vreg.gather [hbm4b:s5+s2], $0x1, v45, vm0, $0xb8;
	[tilespmem:$0x400] =	vst v63  }
0x13c: {  	v60 =	vadd.s32 v13, v40;
	v62 =	vnsel vm2, $0x1DE1FF, v59;
	s0 =	rddreg [dreg:$0xc]  }
0x13d: {  	vm3 =	vlt.s32 v60, $0x1DE1FF;
	[tilespmem:s0], [sflag:$0x1] =	stream.indirect_vreg.gather [hbm4b:s5+s2], $0x1, v46, vm0, $0xb8;
	[tilespmem:$0x400] =	vst v63  }
0x13e: {  	v40 =	vadd.s32 v14, v40;
	v63 =	vnsel vm3, $0x1DE1FF, v60;
	s7 =	rddreg [dreg:$0xd]  }
0x13f: {  	vm1 =	vlt.s32 v40, $0x1DE1FF;
	[tilespmem:s7], [sflag:$0x1] =	stream.indirect_vreg.gather [hbm4b:s5+s2], $0x1, v61, vm0, $0xb8;
	[tilespmem:$0x400] =	vst v63  }
0x140: {  	v40 =	vnsel vm1, $0x1DE1FF, v40;
	s0 =	rddreg [dreg:$0xe]  }
0x141: {  	[tilespmem:s0], [sflag:$0x1] =	stream.indirect_vreg.gather [hbm4b:s5+s2], $0x1, v62, vm0, $0xb8;
	[tilespmem:$0x400] =	vst v63  }
0x142: {  	s7 =	rddreg [dreg:$0xf]  }
0x143: {  	[tilespmem:s7], [sflag:$0x1] =	stream.indirect_vreg.gather [hbm4b:s5+s2], $0x1, v63, vm0, $0xb8;
	[tilespmem:$0x400] =	vst v63  }
0x144: {  	s0 =	rddreg [dreg:$0x10]  }
0x145: {  	[tilespmem:s0], [sflag:$0x1] =	stream.indirect_vreg.gather [hbm4b:s5+s2], $0x1, v40, vm0, $0xb8;
	[tilespmem:$0x400] =	vst v63  }
0x146: {  	_ = 	snop  }
0x147: {  	[tilespmem:s6], [sflag:$0x1] =	stream.indirect_vreg.gather [hbm4b:s5+s2], $0x1, v15, vm0, $0xb8;
	[tilespmem:$0x400] =	vst v63  }
0x148: {  	s7 =	rddreg [dreg:$0x11]  }
0x149: {  	[tilespmem:s7], [sflag:$0x1] =	stream.indirect_vreg.gather [hbm4b:s5+s2], $0x1, v16, vm0, $0xb8;
	[tilespmem:$0x400] =	vst v63  }
0x14a: {  	s7 =	simm.s32 $0x220  }
0x14b: {  	[tilespmem:s7], [sflag:$0x1] =	stream.indirect_vreg.gather [hbm4b:s5+s2], $0x1, v17, vm0, $0xb8;
	[tilespmem:$0x400] =	vst v63  }
0x14c: {  	_ = 	snop  }
0x14d: {  	[tilespmem:s8], [sflag:$0x1] =	stream.indirect_vreg.gather [hbm4b:s5+s2], $0x1, v18, vm0, $0xb8;
	[tilespmem:$0x400] =	vst v63  }
0x14e: {  	_ = 	snop  }
0x14f: {  	[tilespmem:s9], [sflag:$0x1] =	stream.indirect_vreg.gather [hbm4b:s5+s2], $0x1, v19, vm0, $0xb8;
	[tilespmem:$0x400] =	vst v63  }
0x150: {  	_ = 	snop  }
0x151: {  	[tilespmem:s10], [sflag:$0x1] =	stream.indirect_vreg.gather [hbm4b:s5+s2], $0x1, v20, vm0, $0xb8;
	[tilespmem:$0x400] =	vst v63  }
0x152: {  	_ = 	snop  }
0x153: {  	[tilespmem:s11], [sflag:$0x1] =	stream.indirect_vreg.gather [hbm4b:s5+s2], $0x1, v21, vm0, $0xb8;
	[tilespmem:$0x400] =	vst v63  }
0x154: {  	_ = 	snop  }
0x155: {  	[tilespmem:s12], [sflag:$0x1] =	stream.indirect_vreg.gather [hbm4b:s5+s2], $0x1, v22, vm0, $0xb8;
	[tilespmem:$0x400] =	vst v63  }
0x156: {  	_ = 	snop  }
0x157: {  	[tilespmem:s13], [sflag:$0x1] =	stream.indirect_vreg.gather [hbm4b:s5+s2], $0x1, v23, vm0, $0xb8;
	[tilespmem:$0x400] =	vst v63  }
0x158: {  	_ = 	snop  }
0x159: {  	[tilespmem:s14], [sflag:$0x1] =	stream.indirect_vreg.gather [hbm4b:s5+s2], $0x1, v24, vm0, $0xb8;
	[tilespmem:$0x400] =	vst v63  }
0x15a: {  	_ = 	snop  }
0x15b: {  	[tilespmem:s15], [sflag:$0x1] =	stream.indirect_vreg.gather [hbm4b:s5+s2], $0x1, v25, vm0, $0xb8;
	[tilespmem:$0x400] =	vst v63  }
0x15c: {  	_ = 	snop  }
0x15d: {  	[tilespmem:s16], [sflag:$0x1] =	stream.indirect_vreg.gather [hbm4b:s5+s2], $0x1, v26, vm0, $0xb8;
	[tilespmem:$0x400] =	vst v63  }
0x15e: {  	_ = 	snop  }
0x15f: {  	[tilespmem:s17], [sflag:$0x1] =	stream.indirect_vreg.gather [hbm4b:s5+s2], $0x1, v27, vm0, $0xb8;
	[tilespmem:$0x400] =	vst v63  }
0x160: {  	_ = 	snop  }
0x161: {  	[tilespmem:s18], [sflag:$0x1] =	stream.indirect_vreg.gather [hbm4b:s5+s2], $0x1, v28, vm0, $0xb8;
	[tilespmem:$0x400] =	vst v63  }
0x162: {  	_ = 	snop  }
0x163: {  	[tilespmem:s19], [sflag:$0x1] =	stream.indirect_vreg.gather [hbm4b:s5+s2], $0x1, v29, vm0, $0xb8;
	[tilespmem:$0x400] =	vst v63  }
0x164: {  	_ = 	snop  }
0x165: {  	[tilespmem:s20], [sflag:$0x1] =	stream.indirect_vreg.gather [hbm4b:s5+s2], $0x1, v30, vm0, $0xb8;
	[tilespmem:$0x400] =	vst v63  }
0x166: {  	_ = 	snop  }
0x167: {  	[tilespmem:s21], [sflag:$0x1] =	stream.indirect_vreg.gather [hbm4b:s5+s2], $0x1, v31, vm0, $0xb8;
	[tilespmem:$0x400] =	vst v63  }
0x168: {  	_ = 	snop  }
0x169: {  	[tilespmem:s22], [sflag:$0x1] =	stream.indirect_vreg.gather [hbm4b:s5+s2], $0x1, v32, vm0, $0xb8;
	[tilespmem:$0x400] =	vst v63  }
0x16a: {  	_ = 	snop  }
0x16b: {  	[tilespmem:s23], [sflag:$0x1] =	stream.indirect_vreg.gather [hbm4b:s5+s2], $0x1, v33, vm0, $0xb8;
	[tilespmem:$0x400] =	vst v63  }
0x16c: {  	_ = 	snop  }
0x16d: {  	[tilespmem:s24], [sflag:$0x1] =	stream.indirect_vreg.gather [hbm4b:s5+s2], $0x1, v34, vm0, $0xb8;
	[tilespmem:$0x400] =	vst v63  }
0x16e: {  	_ = 	snop  }
0x16f: {  	[tilespmem:s25], [sflag:$0x1] =	stream.indirect_vreg.gather [hbm4b:s5+s2], $0x1, v35, vm0, $0xb8;
	[tilespmem:$0x400] =	vst v63  }
0x170: {  	_ = 	snop  }
0x171: {  	[tilespmem:s26], [sflag:$0x1] =	stream.indirect_vreg.gather [hbm4b:s5+s2], $0x1, v36, vm0, $0xb8;
	[tilespmem:$0x400] =	vst v63  }
0x172: {  	_ = 	snop  }
0x173: {  	[tilespmem:s29], [sflag:$0x1] =	stream.indirect_vreg.gather [hbm4b:s5+s2], $0x1, v37, vm0, $0xb8;
	[tilespmem:$0x400] =	vst v63  }
0x174: {  	_ = 	snop  }
0x175: {  	[tilespmem:s30], [sflag:$0x1] =	stream.indirect_vreg.gather [hbm4b:s5+s2], $0x1, v38, vm0, $0xb8;
	[tilespmem:$0x400] =	vst v63  }
0x176: {  	_ = 	snop  }
0x177: {  	[tilespmem:s31], [sflag:$0x1] =	stream.indirect_vreg.gather [hbm4b:s5+s2], $0x1, v39, vm0, $0xb8;
	[tilespmem:$0x400] =	vst v63  }
0x178: {  	_ =	swait.ge [sflag:s28], $0x10  }
0x179: {  	[sflag:s28] =	ssyncset.done $0x0  }
0x17a: {  	[sflag:s28] =	ssyncadd.s32 $0xFFFFFFF0  }
0x17b: {  	_ =	swait.ge [sflag:s28], $0x10  }
0x17c: {  	[sflag:s28] =	ssyncset.done $0x0  }
0x17d: {  	[sflag:s28] =	ssyncadd.s32 $0xFFFFFFF0  }
0x17e: {  	_ =	swait.ge [sflag:s28], $0x10  }
0x17f: {  	[sflag:s28] =	ssyncset.done $0x0  }
0x180: {  	[sflag:s28] =	ssyncadd.s32 $0xFFFFFFF0  }
0x181: {  	_ =	swait.ge [sflag:s28], $0x10  }
0x182: {  	[sflag:s28] =	ssyncset.done $0x0  }
0x183: {  	[sflag:s28] =	ssyncadd.s32 $0xFFFFFFF0  }
0x184: {  	_ =	swait.ge [sflag:s28], $0x10  }
0x185: {  	[sflag:s28] =	ssyncset.done $0x0  }
0x186: {  	[sflag:s28] =	ssyncadd.s32 $0xFFFFFFF0  }
0x187: {  	_ =	swait.ge [sflag:s28], $0x10  }
0x188: {  	[sflag:s28] =	ssyncset.done $0x0  }
0x189: {  	[sflag:s28] =	ssyncadd.s32 $0xFFFFFFF0  }
0x18a: {  	_ =	swait.ge [sflag:s28], $0x10  }
0x18b: {  	[sflag:s28] =	ssyncset.done $0x0  }
0x18c: {  	[sflag:s28] =	ssyncadd.s32 $0xFFFFFFF0  }
0x18d: {  	_ =	swait.ge [sflag:s28], $0x10  }
0x18e: {  	[sflag:s28] =	ssyncset.done $0x0  }
0x18f: {  	[sflag:s28] =	ssyncadd.s32 $0xFFFFFFF0  }
0x190: {  	_ =	swait.ge [sflag:s28], $0x10  }
0x191: {  	[sflag:s28] =	ssyncset.done $0x0  }
0x192: {  	[sflag:s28] =	ssyncadd.s32 $0xFFFFFFF0  }
0x193: {  	_ =	swait.ge [sflag:s28], $0x10  }
0x194: {  	[sflag:s28] =	ssyncset.done $0x0  }
0x195: {  	[sflag:s28] =	ssyncadd.s32 $0xFFFFFFF0  }
0x196: {  	_ =	swait.ge [sflag:s28], $0x10  }
0x197: {  	[sflag:s28] =	ssyncset.done $0x0  }
0x198: {  	[sflag:s28] =	ssyncadd.s32 $0xFFFFFFF0  }
0x199: {  	_ =	swait.ge [sflag:s28], $0x10  }
0x19a: {  	[sflag:s28] =	ssyncset.done $0x0  }
0x19b: {  	[sflag:s28] =	ssyncadd.s32 $0xFFFFFFF0  }
0x19c: {  	_ =	swait.ge [sflag:s28], $0x10  }
0x19d: {  	[sflag:s28] =	ssyncset.done $0x0  }
0x19e: {  	[sflag:s28] =	ssyncadd.s32 $0xFFFFFFF0  }
0x19f: {  	_ =	swait.ge [sflag:s28], $0x10  }
0x1a0: {  	[sflag:s28] =	ssyncset.done $0x0  }
0x1a1: {  	[sflag:s28] =	ssyncadd.s32 $0xFFFFFFF0  }
0x1a2: {  	_ =	swait.ge [sflag:s28], $0x10  }
0x1a3: {  	[sflag:s28] =	ssyncset.done $0x0  }
0x1a4: {  	[sflag:s28] =	ssyncadd.s32 $0xFFFFFFF0  }
0x1a5: {  	_ =	swait.ge [sflag:s28], $0x10  }
0x1a6: {  	[sflag:s28] =	ssyncset.done $0x0  }
0x1a7: {  	[sflag:s28] =	ssyncadd.s32 $0xFFFFFFF0  }
0x1a8: {  	_ =	swait.ge [sflag:s28], $0x10  }
0x1a9: {  	[sflag:s28] =	ssyncset.done $0x0  }
0x1aa: {  	[sflag:s28] =	ssyncadd.s32 $0xFFFFFFF0  }
0x1ab: {  	_ =	swait.ge [sflag:s28], $0x10  }
0x1ac: {  	[sflag:s28] =	ssyncset.done $0x0  }
0x1ad: {  	[sflag:s28] =	ssyncadd.s32 $0xFFFFFFF0  }
0x1ae: {  	_ =	swait.ge [sflag:s28], $0x10  }
0x1af: {  	[sflag:s28] =	ssyncset.done $0x0  }
0x1b0: {  	[sflag:s28] =	ssyncadd.s32 $0xFFFFFFF0  }
0x1b1: {  	_ =	swait.ge [sflag:s28], $0x10  }
0x1b2: {  	[sflag:s28] =	ssyncset.done $0x0  }
0x1b3: {  	[sflag:s28] =	ssyncadd.s32 $0xFFFFFFF0  }
0x1b4: {  	_ =	swait.ge [sflag:s28], $0x10  }
0x1b5: {  	[sflag:s28] =	ssyncset.done $0x0  }
0x1b6: {  	[sflag:s28] =	ssyncadd.s32 $0xFFFFFFF0  }
0x1b7: {  	_ =	swait.ge [sflag:s28], $0x10  }
0x1b8: {  	[sflag:s28] =	ssyncset.done $0x0  }
0x1b9: {  	[sflag:s28] =	ssyncadd.s32 $0xFFFFFFF0  }
0x1ba: {  	_ =	swait.ge [sflag:s28], $0x10  }
0x1bb: {  	[sflag:s28] =	ssyncset.done $0x0  }
0x1bc: {  	[sflag:s28] =	ssyncadd.s32 $0xFFFFFFF0  }
0x1bd: {  	_ =	swait.ge [sflag:s28], $0x10  }
0x1be: {  	[sflag:s28] =	ssyncset.done $0x0  }
0x1bf: {  	[sflag:s28] =	ssyncadd.s32 $0xFFFFFFF0  }
0x1c0: {  	_ =	swait.ge [sflag:s28], $0x10  }
0x1c1: {  	[sflag:s28] =	ssyncset.done $0x0  }
0x1c2: {  	[sflag:s28] =	ssyncadd.s32 $0xFFFFFFF0  }
0x1c3: {  	_ =	swait.ge [sflag:s28], $0x10  }
0x1c4: {  	[sflag:s28] =	ssyncset.done $0x0  }
0x1c5: {  	[sflag:s28] =	ssyncadd.s32 $0xFFFFFFF0  }
0x1c6: {  	_ =	swait.ge [sflag:s28], $0x10  }
0x1c7: {  	[sflag:s28] =	ssyncset.done $0x0  }
0x1c8: {  	[sflag:s28] =	ssyncadd.s32 $0xFFFFFFF0  }
0x1c9: {  	_ =	swait.ge [sflag:s28], $0x10  }
0x1ca: {  	[sflag:s28] =	ssyncset.done $0x0  }
0x1cb: {  	[sflag:s28] =	ssyncadd.s32 $0xFFFFFFF0  }
0x1cc: {  	_ =	swait.ge [sflag:s28], $0x10  }
0x1cd: {  	[sflag:s28] =	ssyncset.done $0x0  }
0x1ce: {  	[sflag:s28] =	ssyncadd.s32 $0xFFFFFFF0  }
0x1cf: {  	_ =	swait.ge [sflag:s28], $0x10  }
0x1d0: {  	[sflag:s28] =	ssyncset.done $0x0  }
0x1d1: {  	[sflag:s28] =	ssyncadd.s32 $0xFFFFFFF0  }
0x1d2: {  	_ =	swait.ge [sflag:s28], $0x10  }
0x1d3: {  	[sflag:s28] =	ssyncset.done $0x0  }
0x1d4: {  	[sflag:s28] =	ssyncadd.s32 $0xFFFFFFF0  }
0x1d5: {  	p0 =	sne.s32 s1, $0x1;
	_ =	swait.ge [sflag:s28], $0x10  }
.Ltmp1:
0x1d6: {  	[sflag:s28] =	ssyncset.done $0x0;
	(pc) =	sbr.rel @p0 .LBB2_1-.Ltmp1, $4  }
0x1d7: {  	[sflag:s28] =	ssyncadd.s32 $0xFFFFFFF0  }
0x1d8: {  	_ =	swait.ge [sflag:s28], $0x10  }
0x1d9: {  	[sflag:s28] =	ssyncset.done $0x0  }
0x1da: {  	s1 =	sadd.s32 $0xFFFFFFFF, s1;
	[sflag:s28] =	ssyncadd.s32 $0xFFFFFFF0  }
.LBB2_2:
0x1db: {  	_ =	swait.ge [sflag:s28], $0x10  }
0x1dc: {  	[sflag:s28] =	ssyncset.done $0x0  }
0x1dd: {  	[sflag:s28] =	ssyncadd.s32 $0xFFFFFFF0  }
0x1de: {  	_ =	swait.ge [sflag:s28], $0x10  }
0x1df: {  	[sflag:s28] =	ssyncset.done $0x0  }
0x1e0: {  	s0 =	rddreg [dreg:$0x5];
	[sflag:s28] =	ssyncadd.s32 $0xFFFFFFF0  }
0x1e1: {  	[hbm4b:s0+s2] =	stream.linear.scatter [tilespmem:s4], [sflag:$0x2], $0xA0, $0x38;
	[tilespmem:$0x400] =	vst v63  }
0x1e2: {  	_ =	swait.ge [sflag:s3], $0xA0  }
0x1e3: {  	[sflag:s3] =	ssyncset.done $0x0  }
0x1e4: {  	s30 =	rddreg [dreg:$0x6];
	[sflag:s3] =	ssyncadd.s32 $0xFFFFFF60  }
0x1e5: {  	[hbm4b:s30+s2] =	stream.linear.scatter [tilespmem:s6], [sflag:$0x2], $0x190, $0x38;
	[tilespmem:$0x400] =	vst v63  }
0x1e6: {  	_ =	swait.ge [sflag:s3], $0x190  }
0x1e7: {  	[sflag:s3] =	ssyncset.done $0x0  }
0x1e8: {  	[sflag:s3] =	ssyncadd.s32 $0xFFFFFE70  }
0x1e9: {  	_ =	sfence.sel $0x180000  }
0x1ea: {  	[bflag:$0x0] =	sbarrier.arrive $0xFFFF  }
0x1eb: {  	_ =	strace $0x90000047  }
0x1ec: {  	s31 =	stileid.u32;
	[bflag:$0x2] =	sbarrier.arrive $0xFFFF  }
0x1ed: {  	p0 =	sne.s32 s31, $0x0;
	s0 =	rddreg [dreg:$0x2]  }
0x1ee: {  	s0 =	sadd.s32 @!p0 $0x100000, s0  }
0x1ef: {  	[sflag:s0] =	ssyncadd.tile.s32 @!p0 $0x1;
	_ =	shalt  }
.Lfunc_end2:
_tile_overlayer_lowered:
.L_overlay_start_2:
0x1f0: {  	(tag) =	ssettag $0x2  }
0x1f1: {  	s0 =	rddreg [dreg:$0x0];
	s2 =	stileid.u32  }
0x1f2: {  	s1 =	rddreg [dreg:$0x1];
	p0 =	sne.s32 s2, $0x0  }
0x1f3: {  	s3 =	rddreg [dreg:$0x2];
	[bflag:$0x3] =	sbarrier.arrive $0xFFFF;
	s2 =	simm.s32 @!p0 $0x1C02  }
0x1f4: {  	[timem:s3], [sflag:s2] =	dma.local @!p0 [hbm:s0], s1  }
0x1f5: {  	s0 =	simm.s32 @!p0 $0x2  }
0x1f6: {  	_ =	swait.ge @!p0 [sflag:s0], s1  }
0x1f7: {  	s1 =	ssub.s32 @!p0 $0x0, s1;
	[sflag:s0] =	ssyncset.done @!p0 $0x0  }
0x1f8: {  	[sflag:s0] =	ssyncadd.s32 @!p0 s1  }
0x1f9: {  	[bflag:$0x3] =	sbarrier.arrive $0xFFFF  }
0x1fa: {  	_ =	shalt  }

</sc_bundles>
